<compile_context>
chip_gen: v7x
topology: tpu7x:2x2x1
jax: 0.10.2.dev20260603
libtpu: 0.0.44.dev20260713+nightly
codegen_flags: <defaults>
</compile_context>

<pallas_src>
import functools

import jax
import jax.numpy as jnp
from jax import lax
from jax.experimental import pallas as pl
from jax.experimental.pallas import tpu as pltpu
from jax.experimental.pallas import tpu_sc as plsc

N_NODES = 10000
D_FEAT = 128
NUM_GRAPHS = 64
NC = 2
NS = 16
NW = NC * NS
CHUNK = 320
TAIL = N_NODES - (NW - 1) * CHUNK


def _sc_body(x_hbm, b_hbm, out_sum, xb, ixb, ixb2, ixb3, ixt, zrow,
             shared_sum, sem_x, sem_i, sem_s):
    c = lax.axis_index("c")
    s = lax.axis_index("s")
    wid = s * NC + c
    base = wid * CHUNK
    last = wid == NW - 1
    not_last = jnp.logical_not(last)

    q = CHUNK // 4
    ixs = [ixb, ixb2, ixb3, ixt]

    pltpu.async_copy(x_hbm.at[pl.ds(base, q)], xb.at[pl.ds(0, q)], sem_x)
    pltpu.async_copy(b_hbm.at[pl.ds(base, q)], ixs[0], sem_i)

    @pl.when(not_last)
    def _():
        for k in range(1, 4):
            pltpu.async_copy(x_hbm.at[pl.ds(base + k * q, q)],
                             xb.at[pl.ds(k * q, q)], sem_x)
            pltpu.async_copy(b_hbm.at[pl.ds(base + k * q, q)], ixs[k], sem_i)

    zvec = jnp.zeros((16,), jnp.float32)
    for r in range(4):
        for j in range(D_FEAT // 16):
            zrow[r, pl.ds(j * 16, 16)] = zvec

    pltpu.sync_copy(zrow, shared_sum.at[pl.ds(s * 4, 4)])
    plsc.subcore_barrier()

    def _drain(k):
        pltpu.make_async_copy(x_hbm.at[pl.ds(base + k * q, q)],
                              xb.at[pl.ds(k * q, q)], sem_x).wait()
        pltpu.make_async_copy(b_hbm.at[pl.ds(base + k * q, q)], ixs[k],
                              sem_i).wait()

    def _scat(k):
        return pltpu.async_copy(xb.at[pl.ds(k * q, q)],
                                shared_sum.at[ixs[k]], sem_s, add=True)

    _drain(0)

    @pl.when(not_last)
    def _():
        ds_ = [_scat(0)]
        for k in range(1, 4):
            _drain(k)
            ds_.append(_scat(k))
        for d in ds_:
            d.wait()

    @pl.when(last)
    def _():
        _scat(0).wait()

    plsc.subcore_barrier()

    pltpu.sync_copy(shared_sum.at[pl.ds(s * 4, 4)],
                    out_sum.at[c, pl.ds(s * 4, 4)])


_sc_segment_sum = functools.partial(
    pl.kernel,
    out_type=jax.ShapeDtypeStruct((NC, NUM_GRAPHS, D_FEAT), jnp.float32),
    mesh=plsc.VectorSubcoreMesh(core_axis_name="c", subcore_axis_name="s"),
    scratch_types=[
        pltpu.VMEM((CHUNK, D_FEAT), jnp.float32),
        pltpu.VMEM((CHUNK // 4,), jnp.int32),
        pltpu.VMEM((CHUNK // 4,), jnp.int32),
        pltpu.VMEM((CHUNK // 4,), jnp.int32),
        pltpu.VMEM((TAIL,), jnp.int32),
        pltpu.VMEM((4, D_FEAT), jnp.float32),
        pltpu.VMEM_SHARED((NUM_GRAPHS, D_FEAT), jnp.float32),
        pltpu.SemaphoreType.DMA,
        pltpu.SemaphoreType.DMA,
        pltpu.SemaphoreType.DMA,
    ],
)(_sc_body)


def _mlp_body(sum_ref, ids_ref, u_ref, w1_ref, b1_ref, w2_ref, b2_ref, o_ref):
    sums = sum_ref[0] + sum_ref[1]
    ids = ids_ref[...]
    gid = lax.broadcasted_iota(jnp.int32, (NUM_GRAPHS, 1), 0)
    onehot = (gid == ids).astype(jnp.float32)
    counts = jnp.sum(onehot, axis=1, keepdims=True)
    mean = sums / jnp.maximum(counts, 1.0)
    u = u_ref[...]
    h = (
        jnp.dot(u, w1_ref[0:64, :], preferred_element_type=jnp.float32)
        + jnp.dot(mean, w1_ref[64:192, :], preferred_element_type=jnp.float32)
        + b1_ref[...]
    )
    h = jnp.maximum(h, 0.0)
    o_ref[...] = (
        jnp.dot(h, w2_ref[...], preferred_element_type=jnp.float32) + b2_ref[...]
    )


def _tc_mlp(sums_p, ids_row, u, W1, b1, W2, b2):
    return pl.pallas_call(
        _mlp_body,
        out_shape=jax.ShapeDtypeStruct((u.shape[0], W2.shape[1]), jnp.float32),
    )(sums_p, ids_row, u, W1, b1, W2, b2)


def kernel(x, edge_index, edge_attr, u, batch, W1, b1, W2, b2):
    sums_p = _sc_segment_sum(x, batch)
    return _tc_mlp(
        sums_p, batch.reshape(1, N_NODES), u, W1, b1.reshape(1, -1),
        W2, b2.reshape(1, -1)
    )

# --- scband reference (transcript-rebuilt; emitter-appended) ---
"""Pipeline reference for scband-global-model-31172872634969 (READ-ONLY COPY).

The authoritative reference and input builder live on the scoring server;
editing this copy changes nothing except your own understanding.
"""

import jax, jax.numpy as jnp
import numpy as np

N_NODES = 10000
N_EDGES = 320000
D_FEAT = 128
D_EDGE = 4
NUM_GRAPHS = 64
U_DIM = 64
HIDDEN = 128
OUT_DIM = 64


def setup_inputs(seed: int = 0) -> dict:
    key = jax.random.key(seed)
    ks = jax.random.split(key, 8)
    x = jax.random.normal(ks[0], (N_NODES, D_FEAT), dtype=jnp.float32)
    edge_index = jax.random.randint(ks[1], (2, N_EDGES), 0, N_NODES, dtype=jnp.int32)
    edge_attr = jax.random.normal(ks[2], (N_EDGES, D_EDGE), dtype=jnp.float32)
    u = jax.random.normal(ks[3], (NUM_GRAPHS, U_DIM), dtype=jnp.float32)
    batch = jnp.sort(jax.random.randint(ks[4], (N_NODES,), 0, NUM_GRAPHS, dtype=jnp.int32))
    in_dim = U_DIM + D_FEAT
    W1 = jax.random.normal(ks[5], (in_dim, HIDDEN), dtype=jnp.float32) * (1.0 / np.sqrt(in_dim))
    b1 = jnp.zeros((HIDDEN,), dtype=jnp.float32)
    W2 = jax.random.normal(ks[6], (HIDDEN, OUT_DIM), dtype=jnp.float32) * (1.0 / np.sqrt(HIDDEN))
    b2 = jnp.zeros((OUT_DIM,), dtype=jnp.float32)
    return {"x": x, "edge_index": edge_index, "edge_attr": edge_attr, "u": u,
            "batch": batch, "W1": W1, "b1": b1, "W2": W2, "b2": b2}


def reference(x, edge_index, edge_attr, u, batch, W1, b1, W2, b2):
    num_graphs = u.shape[0]
    # scatter_mean(x, batch, dim=0) -> per-graph mean of node features
    sums = jax.ops.segment_sum(x, batch, num_segments=num_graphs)
    counts = jax.ops.segment_sum(jnp.ones((x.shape[0], 1), dtype=x.dtype), batch, num_segments=num_graphs)
    mean = sums / jnp.clip(counts, 1.0, None)
    out = jnp.concatenate([u, mean], axis=1)
    h = jnp.maximum(out @ W1 + b1, 0.0)
    return h @ W2 + b2

if __name__ == "__main__":
    import jax
    _d = setup_inputs()
    print(jax.jit(kernel)(*tuple(_d.values())))

</pallas_src>

<mosaic_0001>
#map = affine_map<(d0, d1) -> (0, 0)>
#map1 = affine_map<(d0, d1) -> (0)>
#map2 = affine_map<(d0, d1) -> (0, 0, 0)>
module attributes {stable_mosaic.version = 14 : i64} {
  func.func @_sc_body(%arg0: i32, %arg1: i32, %arg2: memref<10000x128xf32, #tpu.memory_space<hbm>>, %arg3: memref<10000xi32, #tpu.memory_space<hbm>>, %arg4: memref<2x64x128xf32, #tpu.memory_space<hbm>>, %arg5: memref<320x128xf32, #tpu.memory_space<vmem>>, %arg6: memref<80xi32, #tpu.memory_space<vmem>>, %arg7: memref<80xi32, #tpu.memory_space<vmem>>, %arg8: memref<80xi32, #tpu.memory_space<vmem>>, %arg9: memref<80xi32, #tpu.memory_space<vmem>>, %arg10: memref<4x128xf32, #tpu.memory_space<vmem>>, %arg11: memref<64x128xf32, #tpu.memory_space<vmem_shared>>, %arg12: memref<!tpu.dma_semaphore, #tpu.memory_space<semaphore_mem>>, %arg13: memref<!tpu.dma_semaphore, #tpu.memory_space<semaphore_mem>>, %arg14: memref<!tpu.dma_semaphore, #tpu.memory_space<semaphore_mem>>) attributes {dimension_semantics = [#tpu.dimension_semantics<core_parallel>, #tpu.dimension_semantics<subcore_parallel>], iteration_bounds = array<i64: 2, 16>, scalar_prefetch = 0 : i64, scratch_operands = 10 : i64, tpu.core_type = #tpu.core_type<sc_vector_subcore>, window_params = [{transform_indices = #map}, {transform_indices = #map1}, {transform_indices = #map2}]} {
    %mul3A = arith.constant 2 : i32
    %mul3A_0 = arith.muli %arg1, %mul3A : i32
    %add3A = arith.addi %mul3A_0, %arg0 : i32
    %mul3A_1 = arith.constant 320 : i32
    %mul3A_2 = arith.muli %add3A, %mul3A_1 : i32
    %eq3A = arith.constant 31 : i32
    %eq3A_3 = arith.cmpi eq, %add3A, %eq3A : i32
    %not3A = arith.constant true
    %not3A_4 = arith.xori %eq3A_3, %not3A : i1
    %dma_start3A = arith.constant 0 : i32
    %dma_start3A_5 = arith.constant 0 : i32
    %dma_start3A_6 = tpu.memref_slice %arg5[%dma_start3A, %dma_start3A_5] : memref<320x128xf32, #tpu.memory_space<vmem>> -> memref<80x128xf32, #tpu.memory_space<vmem>>
    %dma_start3A_7 = arith.constant 0 : i32
    %dma_start3A_8 = tpu.memref_slice %arg2[%mul3A_2, %dma_start3A_7] : memref<10000x128xf32, #tpu.memory_space<hbm>> -> memref<80x128xf32, #tpu.memory_space<hbm>>
    %dma_start3A_9 = arith.constant 0 : i32
    %dma_start3A_10 = arith.constant 0 : i32
    %dma_start3A_11 = tpu.memref_slice %arg5[%dma_start3A_9, %dma_start3A_10] : memref<320x128xf32, #tpu.memory_space<vmem>> -> memref<80x128xf32, #tpu.memory_space<vmem>>
    %dma_start3A_12 = arith.constant 0 : i32
    %dma_start3A_13 = tpu.memref_slice %arg2[%mul3A_2, %dma_start3A_12] : memref<10000x128xf32, #tpu.memory_space<hbm>> -> memref<80x128xf32, #tpu.memory_space<hbm>>
    tpu.enqueue_dma source(%dma_start3A_13 : memref<80x128xf32, #tpu.memory_space<hbm>>) target(%dma_start3A_11 : memref<80x128xf32, #tpu.memory_space<vmem>>) target_semaphore(%arg12 : memref<!tpu.dma_semaphore, #tpu.memory_space<semaphore_mem>>)
    %dma_start3A_14 = tpu.memref_slice %arg3[%mul3A_2] : memref<10000xi32, #tpu.memory_space<hbm>> -> memref<80xi32, #tpu.memory_space<hbm>>
    %dma_start3A_15 = tpu.memref_slice %arg3[%mul3A_2] : memref<10000xi32, #tpu.memory_space<hbm>> -> memref<80xi32, #tpu.memory_space<hbm>>
    tpu.enqueue_dma source(%dma_start3A_15 : memref<80xi32, #tpu.memory_space<hbm>>) target(%arg6 : memref<80xi32, #tpu.memory_space<vmem>>) target_semaphore(%arg13 : memref<!tpu.dma_semaphore, #tpu.memory_space<semaphore_mem>>)
    %convert_element_type3A = arith.extui %not3A_4 : i1 to i32
    %cond3A = arith.constant 0 : i32
    %cond3A_16 = arith.cmpi ne, %convert_element_type3A, %cond3A : i32
    scf.if %cond3A_16 {
      %add3A_237 = arith.constant 80 : i32
      %add3A_238 = arith.addi %mul3A_2, %add3A_237 : i32
      %dma_start3A_239 = arith.constant 80 : i32
      %dma_start3A_240 = arith.constant 0 : i32
      %dma_start3A_241 = tpu.memref_slice %arg5[%dma_start3A_239, %dma_start3A_240] : memref<320x128xf32, #tpu.memory_space<vmem>> -> memref<80x128xf32, #tpu.memory_space<vmem>>
      %dma_start3A_242 = arith.constant 0 : i32
      %dma_start3A_243 = tpu.memref_slice %arg2[%add3A_238, %dma_start3A_242] : memref<10000x128xf32, #tpu.memory_space<hbm>> -> memref<80x128xf32, #tpu.memory_space<hbm>>
      %dma_start3A_244 = arith.constant 80 : i32
      %dma_start3A_245 = arith.constant 0 : i32
      %dma_start3A_246 = tpu.memref_slice %arg5[%dma_start3A_244, %dma_start3A_245] : memref<320x128xf32, #tpu.memory_space<vmem>> -> memref<80x128xf32, #tpu.memory_space<vmem>>
      %dma_start3A_247 = arith.constant 0 : i32
      %dma_start3A_248 = tpu.memref_slice %arg2[%add3A_238, %dma_start3A_247] : memref<10000x128xf32, #tpu.memory_space<hbm>> -> memref<80x128xf32, #tpu.memory_space<hbm>>
      tpu.enqueue_dma source(%dma_start3A_248 : memref<80x128xf32, #tpu.memory_space<hbm>>) target(%dma_start3A_246 : memref<80x128xf32, #tpu.memory_space<vmem>>) target_semaphore(%arg12 : memref<!tpu.dma_semaphore, #tpu.memory_space<semaphore_mem>>)
      %add3A_249 = arith.constant 80 : i32
      %add3A_250 = arith.addi %mul3A_2, %add3A_249 : i32
      %dma_start3A_251 = tpu.memref_slice %arg3[%add3A_250] : memref<10000xi32, #tpu.memory_space<hbm>> -> memref<80xi32, #tpu.memory_space<hbm>>
      %dma_start3A_252 = tpu.memref_slice %arg3[%add3A_250] : memref<10000xi32, #tpu.memory_space<hbm>> -> memref<80xi32, #tpu.memory_space<hbm>>
      tpu.enqueue_dma source(%dma_start3A_252 : memref<80xi32, #tpu.memory_space<hbm>>) target(%arg7 : memref<80xi32, #tpu.memory_space<vmem>>) target_semaphore(%arg13 : memref<!tpu.dma_semaphore, #tpu.memory_space<semaphore_mem>>)
      %add3A_253 = arith.constant 160 : i32
      %add3A_254 = arith.addi %mul3A_2, %add3A_253 : i32
      %dma_start3A_255 = arith.constant 160 : i32
      %dma_start3A_256 = arith.constant 0 : i32
      %dma_start3A_257 = tpu.memref_slice %arg5[%dma_start3A_255, %dma_start3A_256] : memref<320x128xf32, #tpu.memory_space<vmem>> -> memref<80x128xf32, #tpu.memory_space<vmem>>
      %dma_start3A_258 = arith.constant 0 : i32
      %dma_start3A_259 = tpu.memref_slice %arg2[%add3A_254, %dma_start3A_258] : memref<10000x128xf32, #tpu.memory_space<hbm>> -> memref<80x128xf32, #tpu.memory_space<hbm>>
      %dma_start3A_260 = arith.constant 160 : i32
      %dma_start3A_261 = arith.constant 0 : i32
      %dma_start3A_262 = tpu.memref_slice %arg5[%dma_start3A_260, %dma_start3A_261] : memref<320x128xf32, #tpu.memory_space<vmem>> -> memref<80x128xf32, #tpu.memory_space<vmem>>
      %dma_start3A_263 = arith.constant 0 : i32
      %dma_start3A_264 = tpu.memref_slice %arg2[%add3A_254, %dma_start3A_263] : memref<10000x128xf32, #tpu.memory_space<hbm>> -> memref<80x128xf32, #tpu.memory_space<hbm>>
      tpu.enqueue_dma source(%dma_start3A_264 : memref<80x128xf32, #tpu.memory_space<hbm>>) target(%dma_start3A_262 : memref<80x128xf32, #tpu.memory_space<vmem>>) target_semaphore(%arg12 : memref<!tpu.dma_semaphore, #tpu.memory_space<semaphore_mem>>)
      %add3A_265 = arith.constant 160 : i32
      %add3A_266 = arith.addi %mul3A_2, %add3A_265 : i32
      %dma_start3A_267 = tpu.memref_slice %arg3[%add3A_266] : memref<10000xi32, #tpu.memory_space<hbm>> -> memref<80xi32, #tpu.memory_space<hbm>>
      %dma_start3A_268 = tpu.memref_slice %arg3[%add3A_266] : memref<10000xi32, #tpu.memory_space<hbm>> -> memref<80xi32, #tpu.memory_space<hbm>>
      tpu.enqueue_dma source(%dma_start3A_268 : memref<80xi32, #tpu.memory_space<hbm>>) target(%arg8 : memref<80xi32, #tpu.memory_space<vmem>>) target_semaphore(%arg13 : memref<!tpu.dma_semaphore, #tpu.memory_space<semaphore_mem>>)
      %add3A_269 = arith.constant 240 : i32
      %add3A_270 = arith.addi %mul3A_2, %add3A_269 : i32
      %dma_start3A_271 = arith.constant 240 : i32
      %dma_start3A_272 = arith.constant 0 : i32
      %dma_start3A_273 = tpu.memref_slice %arg5[%dma_start3A_271, %dma_start3A_272] : memref<320x128xf32, #tpu.memory_space<vmem>> -> memref<80x128xf32, #tpu.memory_space<vmem>>
      %dma_start3A_274 = arith.constant 0 : i32
      %dma_start3A_275 = tpu.memref_slice %arg2[%add3A_270, %dma_start3A_274] : memref<10000x128xf32, #tpu.memory_space<hbm>> -> memref<80x128xf32, #tpu.memory_space<hbm>>
      %dma_start3A_276 = arith.constant 240 : i32
      %dma_start3A_277 = arith.constant 0 : i32
      %dma_start3A_278 = tpu.memref_slice %arg5[%dma_start3A_276, %dma_start3A_277] : memref<320x128xf32, #tpu.memory_space<vmem>> -> memref<80x128xf32, #tpu.memory_space<vmem>>
      %dma_start3A_279 = arith.constant 0 : i32
      %dma_start3A_280 = tpu.memref_slice %arg2[%add3A_270, %dma_start3A_279] : memref<10000x128xf32, #tpu.memory_space<hbm>> -> memref<80x128xf32, #tpu.memory_space<hbm>>
      tpu.enqueue_dma source(%dma_start3A_280 : memref<80x128xf32, #tpu.memory_space<hbm>>) target(%dma_start3A_278 : memref<80x128xf32, #tpu.memory_space<vmem>>) target_semaphore(%arg12 : memref<!tpu.dma_semaphore, #tpu.memory_space<semaphore_mem>>)
      %add3A_281 = arith.constant 240 : i32
      %add3A_282 = arith.addi %mul3A_2, %add3A_281 : i32
      %dma_start3A_283 = tpu.memref_slice %arg3[%add3A_282] : memref<10000xi32, #tpu.memory_space<hbm>> -> memref<80xi32, #tpu.memory_space<hbm>>
      %dma_start3A_284 = tpu.memref_slice %arg3[%add3A_282] : memref<10000xi32, #tpu.memory_space<hbm>> -> memref<80xi32, #tpu.memory_space<hbm>>
      tpu.enqueue_dma source(%dma_start3A_284 : memref<80xi32, #tpu.memory_space<hbm>>) target(%arg9 : memref<80xi32, #tpu.memory_space<vmem>>) target_semaphore(%arg13 : memref<!tpu.dma_semaphore, #tpu.memory_space<semaphore_mem>>)
    } else {
    }
    %broadcast_in_dim3A = arith.constant 0.000000e+00 : f32
    %broadcast_in_dim3A_17 = vector.broadcast %broadcast_in_dim3A : f32 to vector<16xf32>
    %swap3A = arith.constant 0 : i32
    %swap3A_18 = arith.index_cast %swap3A : i32 to index
    %swap3A_19 = arith.constant 0 : index
    %swap3A_20 = tpu.vector_load %arg10[%swap3A_18, %swap3A_19] {strides = array<i32>} : memref<4x128xf32, #tpu.memory_space<vmem>>, vector<1x16xf32>,
    %swap3A_21 = vector.shape_cast %swap3A_20 : vector<1x16xf32> to vector<16xf32>
    %swap3A_22 = vector.shape_cast %broadcast_in_dim3A_17 : vector<16xf32> to vector<1x16xf32>
    tpu.vector_store %arg10[%swap3A_18, %swap3A_19], %swap3A_22 {strides = array<i32>} : memref<4x128xf32, #tpu.memory_space<vmem>>, vector<1x16xf32>,
    %swap3A_23 = arith.constant 0 : i32
    %swap3A_24 = arith.index_cast %swap3A_23 : i32 to index
    %swap3A_25 = arith.constant 16 : index
    %swap3A_26 = tpu.vector_load %arg10[%swap3A_24, %swap3A_25] {strides = array<i32>} : memref<4x128xf32, #tpu.memory_space<vmem>>, vector<1x16xf32>,
    %swap3A_27 = vector.shape_cast %swap3A_26 : vector<1x16xf32> to vector<16xf32>
    %swap3A_28 = vector.shape_cast %broadcast_in_dim3A_17 : vector<16xf32> to vector<1x16xf32>
    tpu.vector_store %arg10[%swap3A_24, %swap3A_25], %swap3A_28 {strides = array<i32>} : memref<4x128xf32, #tpu.memory_space<vmem>>, vector<1x16xf32>,
    %swap3A_29 = arith.constant 0 : i32
    %swap3A_30 = arith.index_cast %swap3A_29 : i32 to index
    %swap3A_31 = arith.constant 32 : index
    %swap3A_32 = tpu.vector_load %arg10[%swap3A_30, %swap3A_31] {strides = array<i32>} : memref<4x128xf32, #tpu.memory_space<vmem>>, vector<1x16xf32>,
    %swap3A_33 = vector.shape_cast %swap3A_32 : vector<1x16xf32> to vector<16xf32>
    %swap3A_34 = vector.shape_cast %broadcast_in_dim3A_17 : vector<16xf32> to vector<1x16xf32>
    tpu.vector_store %arg10[%swap3A_30, %swap3A_31], %swap3A_34 {strides = array<i32>} : memref<4x128xf32, #tpu.memory_space<vmem>>, vector<1x16xf32>,
    %swap3A_35 = arith.constant 0 : i32
    %swap3A_36 = arith.index_cast %swap3A_35 : i32 to index
    %swap3A_37 = arith.constant 48 : index
    %swap3A_38 = tpu.vector_load %arg10[%swap3A_36, %swap3A_37] {strides = array<i32>} : memref<4x128xf32, #tpu.memory_space<vmem>>, vector<1x16xf32>,
    %swap3A_39 = vector.shape_cast %swap3A_38 : vector<1x16xf32> to vector<16xf32>
    %swap3A_40 = vector.shape_cast %broadcast_in_dim3A_17 : vector<16xf32> to vector<1x16xf32>
    tpu.vector_store %arg10[%swap3A_36, %swap3A_37], %swap3A_40 {strides = array<i32>} : memref<4x128xf32, #tpu.memory_space<vmem>>, vector<1x16xf32>,
    %swap3A_41 = arith.constant 0 : i32
    %swap3A_42 = arith.index_cast %swap3A_41 : i32 to index
    %swap3A_43 = arith.constant 64 : index
    %swap3A_44 = tpu.vector_load %arg10[%swap3A_42, %swap3A_43] {strides = array<i32>} : memref<4x128xf32, #tpu.memory_space<vmem>>, vector<1x16xf32>,
    %swap3A_45 = vector.shape_cast %swap3A_44 : vector<1x16xf32> to vector<16xf32>
    %swap3A_46 = vector.shape_cast %broadcast_in_dim3A_17 : vector<16xf32> to vector<1x16xf32>
    tpu.vector_store %arg10[%swap3A_42, %swap3A_43], %swap3A_46 {strides = array<i32>} : memref<4x128xf32, #tpu.memory_space<vmem>>, vector<1x16xf32>,
    %swap3A_47 = arith.constant 0 : i32
    %swap3A_48 = arith.index_cast %swap3A_47 : i32 to index
    %swap3A_49 = arith.constant 80 : index
    %swap3A_50 = tpu.vector_load %arg10[%swap3A_48, %swap3A_49] {strides = array<i32>} : memref<4x128xf32, #tpu.memory_space<vmem>>, vector<1x16xf32>,
    %swap3A_51 = vector.shape_cast %swap3A_50 : vector<1x16xf32> to vector<16xf32>
    %swap3A_52 = vector.shape_cast %broadcast_in_dim3A_17 : vector<16xf32> to vector<1x16xf32>
    tpu.vector_store %arg10[%swap3A_48, %swap3A_49], %swap3A_52 {strides = array<i32>} : memref<4x128xf32, #tpu.memory_space<vmem>>, vector<1x16xf32>,
    %swap3A_53 = arith.constant 0 : i32
    %swap3A_54 = arith.index_cast %swap3A_53 : i32 to index
    %swap3A_55 = arith.constant 96 : index
    %swap3A_56 = tpu.vector_load %arg10[%swap3A_54, %swap3A_55] {strides = array<i32>} : memref<4x128xf32, #tpu.memory_space<vmem>>, vector<1x16xf32>,
    %swap3A_57 = vector.shape_cast %swap3A_56 : vector<1x16xf32> to vector<16xf32>
    %swap3A_58 = vector.shape_cast %broadcast_in_dim3A_17 : vector<16xf32> to vector<1x16xf32>
    tpu.vector_store %arg10[%swap3A_54, %swap3A_55], %swap3A_58 {strides = array<i32>} : memref<4x128xf32, #tpu.memory_space<vmem>>, vector<1x16xf32>,
    %swap3A_59 = arith.constant 0 : i32
    %swap3A_60 = arith.index_cast %swap3A_59 : i32 to index
    %swap3A_61 = arith.constant 112 : index
    %swap3A_62 = tpu.vector_load %arg10[%swap3A_60, %swap3A_61] {strides = array<i32>} : memref<4x128xf32, #tpu.memory_space<vmem>>, vector<1x16xf32>,
    %swap3A_63 = vector.shape_cast %swap3A_62 : vector<1x16xf32> to vector<16xf32>
    %swap3A_64 = vector.shape_cast %broadcast_in_dim3A_17 : vector<16xf32> to vector<1x16xf32>
    tpu.vector_store %arg10[%swap3A_60, %swap3A_61], %swap3A_64 {strides = array<i32>} : memref<4x128xf32, #tpu.memory_space<vmem>>, vector<1x16xf32>,
    %swap3A_65 = arith.constant 1 : i32
    %swap3A_66 = arith.index_cast %swap3A_65 : i32 to index
    %swap3A_67 = arith.constant 0 : index
    %swap3A_68 = tpu.vector_load %arg10[%swap3A_66, %swap3A_67] {strides = array<i32>} : memref<4x128xf32, #tpu.memory_space<vmem>>, vector<1x16xf32>,
    %swap3A_69 = vector.shape_cast %swap3A_68 : vector<1x16xf32> to vector<16xf32>
    %swap3A_70 = vector.shape_cast %broadcast_in_dim3A_17 : vector<16xf32> to vector<1x16xf32>
    tpu.vector_store %arg10[%swap3A_66, %swap3A_67], %swap3A_70 {strides = array<i32>} : memref<4x128xf32, #tpu.memory_space<vmem>>, vector<1x16xf32>,
    %swap3A_71 = arith.constant 1 : i32
    %swap3A_72 = arith.index_cast %swap3A_71 : i32 to index
    %swap3A_73 = arith.constant 16 : index
    %swap3A_74 = tpu.vector_load %arg10[%swap3A_72, %swap3A_73] {strides = array<i32>} : memref<4x128xf32, #tpu.memory_space<vmem>>, vector<1x16xf32>,
    %swap3A_75 = vector.shape_cast %swap3A_74 : vector<1x16xf32> to vector<16xf32>
    %swap3A_76 = vector.shape_cast %broadcast_in_dim3A_17 : vector<16xf32> to vector<1x16xf32>
    tpu.vector_store %arg10[%swap3A_72, %swap3A_73], %swap3A_76 {strides = array<i32>} : memref<4x128xf32, #tpu.memory_space<vmem>>, vector<1x16xf32>,
    %swap3A_77 = arith.constant 1 : i32
    %swap3A_78 = arith.index_cast %swap3A_77 : i32 to index
    %swap3A_79 = arith.constant 32 : index
    %swap3A_80 = tpu.vector_load %arg10[%swap3A_78, %swap3A_79] {strides = array<i32>} : memref<4x128xf32, #tpu.memory_space<vmem>>, vector<1x16xf32>,
    %swap3A_81 = vector.shape_cast %swap3A_80 : vector<1x16xf32> to vector<16xf32>
    %swap3A_82 = vector.shape_cast %broadcast_in_dim3A_17 : vector<16xf32> to vector<1x16xf32>
    tpu.vector_store %arg10[%swap3A_78, %swap3A_79], %swap3A_82 {strides = array<i32>} : memref<4x128xf32, #tpu.memory_space<vmem>>, vector<1x16xf32>,
    %swap3A_83 = arith.constant 1 : i32
    %swap3A_84 = arith.index_cast %swap3A_83 : i32 to index
    %swap3A_85 = arith.constant 48 : index
    %swap3A_86 = tpu.vector_load %arg10[%swap3A_84, %swap3A_85] {strides = array<i32>} : memref<4x128xf32, #tpu.memory_space<vmem>>, vector<1x16xf32>,
    %swap3A_87 = vector.shape_cast %swap3A_86 : vector<1x16xf32> to vector<16xf32>
    %swap3A_88 = vector.shape_cast %broadcast_in_dim3A_17 : vector<16xf32> to vector<1x16xf32>
    tpu.vector_store %arg10[%swap3A_84, %swap3A_85], %swap3A_88 {strides = array<i32>} : memref<4x128xf32, #tpu.memory_space<vmem>>, vector<1x16xf32>,
    %swap3A_89 = arith.constant 1 : i32
    %swap3A_90 = arith.index_cast %swap3A_89 : i32 to index
    %swap3A_91 = arith.constant 64 : index
    %swap3A_92 = tpu.vector_load %arg10[%swap3A_90, %swap3A_91] {strides = array<i32>} : memref<4x128xf32, #tpu.memory_space<vmem>>, vector<1x16xf32>,
    %swap3A_93 = vector.shape_cast %swap3A_92 : vector<1x16xf32> to vector<16xf32>
    %swap3A_94 = vector.shape_cast %broadcast_in_dim3A_17 : vector<16xf32> to vector<1x16xf32>
    tpu.vector_store %arg10[%swap3A_90, %swap3A_91], %swap3A_94 {strides = array<i32>} : memref<4x128xf32, #tpu.memory_space<vmem>>, vector<1x16xf32>,
    %swap3A_95 = arith.constant 1 : i32
    %swap3A_96 = arith.index_cast %swap3A_95 : i32 to index
    %swap3A_97 = arith.constant 80 : index
    %swap3A_98 = tpu.vector_load %arg10[%swap3A_96, %swap3A_97] {strides = array<i32>} : memref<4x128xf32, #tpu.memory_space<vmem>>, vector<1x16xf32>,
    %swap3A_99 = vector.shape_cast %swap3A_98 : vector<1x16xf32> to vector<16xf32>
    %swap3A_100 = vector.shape_cast %broadcast_in_dim3A_17 : vector<16xf32> to vector<1x16xf32>
    tpu.vector_store %arg10[%swap3A_96, %swap3A_97], %swap3A_100 {strides = array<i32>} : memref<4x128xf32, #tpu.memory_space<vmem>>, vector<1x16xf32>,
    %swap3A_101 = arith.constant 1 : i32
    %swap3A_102 = arith.index_cast %swap3A_101 : i32 to index
    %swap3A_103 = arith.constant 96 : index
    %swap3A_104 = tpu.vector_load %arg10[%swap3A_102, %swap3A_103] {strides = array<i32>} : memref<4x128xf32, #tpu.memory_space<vmem>>, vector<1x16xf32>,
    %swap3A_105 = vector.shape_cast %swap3A_104 : vector<1x16xf32> to vector<16xf32>
    %swap3A_106 = vector.shape_cast %broadcast_in_dim3A_17 : vector<16xf32> to vector<1x16xf32>
    tpu.vector_store %arg10[%swap3A_102, %swap3A_103], %swap3A_106 {strides = array<i32>} : memref<4x128xf32, #tpu.memory_space<vmem>>, vector<1x16xf32>,
    %swap3A_107 = arith.constant 1 : i32
    %swap3A_108 = arith.index_cast %swap3A_107 : i32 to index
    %swap3A_109 = arith.constant 112 : index
    %swap3A_110 = tpu.vector_load %arg10[%swap3A_108, %swap3A_109] {strides = array<i32>} : memref<4x128xf32, #tpu.memory_space<vmem>>, vector<1x16xf32>,
    %swap3A_111 = vector.shape_cast %swap3A_110 : vector<1x16xf32> to vector<16xf32>
    %swap3A_112 = vector.shape_cast %broadcast_in_dim3A_17 : vector<16xf32> to vector<1x16xf32>
    tpu.vector_store %arg10[%swap3A_108, %swap3A_109], %swap3A_112 {strides = array<i32>} : memref<4x128xf32, #tpu.memory_space<vmem>>, vector<1x16xf32>,
    %swap3A_113 = arith.constant 2 : i32
    %swap3A_114 = arith.index_cast %swap3A_113 : i32 to index
    %swap3A_115 = arith.constant 0 : index
    %swap3A_116 = tpu.vector_load %arg10[%swap3A_114, %swap3A_115] {strides = array<i32>} : memref<4x128xf32, #tpu.memory_space<vmem>>, vector<1x16xf32>,
    %swap3A_117 = vector.shape_cast %swap3A_116 : vector<1x16xf32> to vector<16xf32>
    %swap3A_118 = vector.shape_cast %broadcast_in_dim3A_17 : vector<16xf32> to vector<1x16xf32>
    tpu.vector_store %arg10[%swap3A_114, %swap3A_115], %swap3A_118 {strides = array<i32>} : memref<4x128xf32, #tpu.memory_space<vmem>>, vector<1x16xf32>,
    %swap3A_119 = arith.constant 2 : i32
    %swap3A_120 = arith.index_cast %swap3A_119 : i32 to index
    %swap3A_121 = arith.constant 16 : index
    %swap3A_122 = tpu.vector_load %arg10[%swap3A_120, %swap3A_121] {strides = array<i32>} : memref<4x128xf32, #tpu.memory_space<vmem>>, vector<1x16xf32>,
    %swap3A_123 = vector.shape_cast %swap3A_122 : vector<1x16xf32> to vector<16xf32>
    %swap3A_124 = vector.shape_cast %broadcast_in_dim3A_17 : vector<16xf32> to vector<1x16xf32>
    tpu.vector_store %arg10[%swap3A_120, %swap3A_121], %swap3A_124 {strides = array<i32>} : memref<4x128xf32, #tpu.memory_space<vmem>>, vector<1x16xf32>,
    %swap3A_125 = arith.constant 2 : i32
    %swap3A_126 = arith.index_cast %swap3A_125 : i32 to index
    %swap3A_127 = arith.constant 32 : index
    %swap3A_128 = tpu.vector_load %arg10[%swap3A_126, %swap3A_127] {strides = array<i32>} : memref<4x128xf32, #tpu.memory_space<vmem>>, vector<1x16xf32>,
    %swap3A_129 = vector.shape_cast %swap3A_128 : vector<1x16xf32> to vector<16xf32>
    %swap3A_130 = vector.shape_cast %broadcast_in_dim3A_17 : vector<16xf32> to vector<1x16xf32>
    tpu.vector_store %arg10[%swap3A_126, %swap3A_127], %swap3A_130 {strides = array<i32>} : memref<4x128xf32, #tpu.memory_space<vmem>>, vector<1x16xf32>,
    %swap3A_131 = arith.constant 2 : i32
    %swap3A_132 = arith.index_cast %swap3A_131 : i32 to index
    %swap3A_133 = arith.constant 48 : index
    %swap3A_134 = tpu.vector_load %arg10[%swap3A_132, %swap3A_133] {strides = array<i32>} : memref<4x128xf32, #tpu.memory_space<vmem>>, vector<1x16xf32>,
    %swap3A_135 = vector.shape_cast %swap3A_134 : vector<1x16xf32> to vector<16xf32>
    %swap3A_136 = vector.shape_cast %broadcast_in_dim3A_17 : vector<16xf32> to vector<1x16xf32>
    tpu.vector_store %arg10[%swap3A_132, %swap3A_133], %swap3A_136 {strides = array<i32>} : memref<4x128xf32, #tpu.memory_space<vmem>>, vector<1x16xf32>,
    %swap3A_137 = arith.constant 2 : i32
    %swap3A_138 = arith.index_cast %swap3A_137 : i32 to index
    %swap3A_139 = arith.constant 64 : index
    %swap3A_140 = tpu.vector_load %arg10[%swap3A_138, %swap3A_139] {strides = array<i32>} : memref<4x128xf32, #tpu.memory_space<vmem>>, vector<1x16xf32>,
    %swap3A_141 = vector.shape_cast %swap3A_140 : vector<1x16xf32> to vector<16xf32>
    %swap3A_142 = vector.shape_cast %broadcast_in_dim3A_17 : vector<16xf32> to vector<1x16xf32>
    tpu.vector_store %arg10[%swap3A_138, %swap3A_139], %swap3A_142 {strides = array<i32>} : memref<4x128xf32, #tpu.memory_space<vmem>>, vector<1x16xf32>,
    %swap3A_143 = arith.constant 2 : i32
    %swap3A_144 = arith.index_cast %swap3A_143 : i32 to index
    %swap3A_145 = arith.constant 80 : index
    %swap3A_146 = tpu.vector_load %arg10[%swap3A_144, %swap3A_145] {strides = array<i32>} : memref<4x128xf32, #tpu.memory_space<vmem>>, vector<1x16xf32>,
    %swap3A_147 = vector.shape_cast %swap3A_146 : vector<1x16xf32> to vector<16xf32>
    %swap3A_148 = vector.shape_cast %broadcast_in_dim3A_17 : vector<16xf32> to vector<1x16xf32>
    tpu.vector_store %arg10[%swap3A_144, %swap3A_145], %swap3A_148 {strides = array<i32>} : memref<4x128xf32, #tpu.memory_space<vmem>>, vector<1x16xf32>,
    %swap3A_149 = arith.constant 2 : i32
    %swap3A_150 = arith.index_cast %swap3A_149 : i32 to index
    %swap3A_151 = arith.constant 96 : index
    %swap3A_152 = tpu.vector_load %arg10[%swap3A_150, %swap3A_151] {strides = array<i32>} : memref<4x128xf32, #tpu.memory_space<vmem>>, vector<1x16xf32>,
    %swap3A_153 = vector.shape_cast %swap3A_152 : vector<1x16xf32> to vector<16xf32>
    %swap3A_154 = vector.shape_cast %broadcast_in_dim3A_17 : vector<16xf32> to vector<1x16xf32>
    tpu.vector_store %arg10[%swap3A_150, %swap3A_151], %swap3A_154 {strides = array<i32>} : memref<4x128xf32, #tpu.memory_space<vmem>>, vector<1x16xf32>,
    %swap3A_155 = arith.constant 2 : i32
    %swap3A_156 = arith.index_cast %swap3A_155 : i32 to index
    %swap3A_157 = arith.constant 112 : index
    %swap3A_158 = tpu.vector_load %arg10[%swap3A_156, %swap3A_157] {strides = array<i32>} : memref<4x128xf32, #tpu.memory_space<vmem>>, vector<1x16xf32>,
    %swap3A_159 = vector.shape_cast %swap3A_158 : vector<1x16xf32> to vector<16xf32>
    %swap3A_160 = vector.shape_cast %broadcast_in_dim3A_17 : vector<16xf32> to vector<1x16xf32>
    tpu.vector_store %arg10[%swap3A_156, %swap3A_157], %swap3A_160 {strides = array<i32>} : memref<4x128xf32, #tpu.memory_space<vmem>>, vector<1x16xf32>,
    %swap3A_161 = arith.constant 3 : i32
    %swap3A_162 = arith.index_cast %swap3A_161 : i32 to index
    %swap3A_163 = arith.constant 0 : index
    %swap3A_164 = tpu.vector_load %arg10[%swap3A_162, %swap3A_163] {strides = array<i32>} : memref<4x128xf32, #tpu.memory_space<vmem>>, vector<1x16xf32>,
    %swap3A_165 = vector.shape_cast %swap3A_164 : vector<1x16xf32> to vector<16xf32>
    %swap3A_166 = vector.shape_cast %broadcast_in_dim3A_17 : vector<16xf32> to vector<1x16xf32>
    tpu.vector_store %arg10[%swap3A_162, %swap3A_163], %swap3A_166 {strides = array<i32>} : memref<4x128xf32, #tpu.memory_space<vmem>>, vector<1x16xf32>,
    %swap3A_167 = arith.constant 3 : i32
    %swap3A_168 = arith.index_cast %swap3A_167 : i32 to index
    %swap3A_169 = arith.constant 16 : index
    %swap3A_170 = tpu.vector_load %arg10[%swap3A_168, %swap3A_169] {strides = array<i32>} : memref<4x128xf32, #tpu.memory_space<vmem>>, vector<1x16xf32>,
    %swap3A_171 = vector.shape_cast %swap3A_170 : vector<1x16xf32> to vector<16xf32>
    %swap3A_172 = vector.shape_cast %broadcast_in_dim3A_17 : vector<16xf32> to vector<1x16xf32>
    tpu.vector_store %arg10[%swap3A_168, %swap3A_169], %swap3A_172 {strides = array<i32>} : memref<4x128xf32, #tpu.memory_space<vmem>>, vector<1x16xf32>,
    %swap3A_173 = arith.constant 3 : i32
    %swap3A_174 = arith.index_cast %swap3A_173 : i32 to index
    %swap3A_175 = arith.constant 32 : index
    %swap3A_176 = tpu.vector_load %arg10[%swap3A_174, %swap3A_175] {strides = array<i32>} : memref<4x128xf32, #tpu.memory_space<vmem>>, vector<1x16xf32>,
    %swap3A_177 = vector.shape_cast %swap3A_176 : vector<1x16xf32> to vector<16xf32>
    %swap3A_178 = vector.shape_cast %broadcast_in_dim3A_17 : vector<16xf32> to vector<1x16xf32>
    tpu.vector_store %arg10[%swap3A_174, %swap3A_175], %swap3A_178 {strides = array<i32>} : memref<4x128xf32, #tpu.memory_space<vmem>>, vector<1x16xf32>,
    %swap3A_179 = arith.constant 3 : i32
    %swap3A_180 = arith.index_cast %swap3A_179 : i32 to index
    %swap3A_181 = arith.constant 48 : index
    %swap3A_182 = tpu.vector_load %arg10[%swap3A_180, %swap3A_181] {strides = array<i32>} : memref<4x128xf32, #tpu.memory_space<vmem>>, vector<1x16xf32>,
    %swap3A_183 = vector.shape_cast %swap3A_182 : vector<1x16xf32> to vector<16xf32>
    %swap3A_184 = vector.shape_cast %broadcast_in_dim3A_17 : vector<16xf32> to vector<1x16xf32>
    tpu.vector_store %arg10[%swap3A_180, %swap3A_181], %swap3A_184 {strides = array<i32>} : memref<4x128xf32, #tpu.memory_space<vmem>>, vector<1x16xf32>,
    %swap3A_185 = arith.constant 3 : i32
    %swap3A_186 = arith.index_cast %swap3A_185 : i32 to index
    %swap3A_187 = arith.constant 64 : index
    %swap3A_188 = tpu.vector_load %arg10[%swap3A_186, %swap3A_187] {strides = array<i32>} : memref<4x128xf32, #tpu.memory_space<vmem>>, vector<1x16xf32>,
    %swap3A_189 = vector.shape_cast %swap3A_188 : vector<1x16xf32> to vector<16xf32>
    %swap3A_190 = vector.shape_cast %broadcast_in_dim3A_17 : vector<16xf32> to vector<1x16xf32>
    tpu.vector_store %arg10[%swap3A_186, %swap3A_187], %swap3A_190 {strides = array<i32>} : memref<4x128xf32, #tpu.memory_space<vmem>>, vector<1x16xf32>,
    %swap3A_191 = arith.constant 3 : i32
    %swap3A_192 = arith.index_cast %swap3A_191 : i32 to index
    %swap3A_193 = arith.constant 80 : index
    %swap3A_194 = tpu.vector_load %arg10[%swap3A_192, %swap3A_193] {strides = array<i32>} : memref<4x128xf32, #tpu.memory_space<vmem>>, vector<1x16xf32>,
    %swap3A_195 = vector.shape_cast %swap3A_194 : vector<1x16xf32> to vector<16xf32>
    %swap3A_196 = vector.shape_cast %broadcast_in_dim3A_17 : vector<16xf32> to vector<1x16xf32>
    tpu.vector_store %arg10[%swap3A_192, %swap3A_193], %swap3A_196 {strides = array<i32>} : memref<4x128xf32, #tpu.memory_space<vmem>>, vector<1x16xf32>,
    %swap3A_197 = arith.constant 3 : i32
    %swap3A_198 = arith.index_cast %swap3A_197 : i32 to index
    %swap3A_199 = arith.constant 96 : index
    %swap3A_200 = tpu.vector_load %arg10[%swap3A_198, %swap3A_199] {strides = array<i32>} : memref<4x128xf32, #tpu.memory_space<vmem>>, vector<1x16xf32>,
    %swap3A_201 = vector.shape_cast %swap3A_200 : vector<1x16xf32> to vector<16xf32>
    %swap3A_202 = vector.shape_cast %broadcast_in_dim3A_17 : vector<16xf32> to vector<1x16xf32>
    tpu.vector_store %arg10[%swap3A_198, %swap3A_199], %swap3A_202 {strides = array<i32>} : memref<4x128xf32, #tpu.memory_space<vmem>>, vector<1x16xf32>,
    %swap3A_203 = arith.constant 3 : i32
    %swap3A_204 = arith.index_cast %swap3A_203 : i32 to index
    %swap3A_205 = arith.constant 112 : index
    %swap3A_206 = tpu.vector_load %arg10[%swap3A_204, %swap3A_205] {strides = array<i32>} : memref<4x128xf32, #tpu.memory_space<vmem>>, vector<1x16xf32>,
    %swap3A_207 = vector.shape_cast %swap3A_206 : vector<1x16xf32> to vector<16xf32>
    %swap3A_208 = vector.shape_cast %broadcast_in_dim3A_17 : vector<16xf32> to vector<1x16xf32>
    tpu.vector_store %arg10[%swap3A_204, %swap3A_205], %swap3A_208 {strides = array<i32>} : memref<4x128xf32, #tpu.memory_space<vmem>>, vector<1x16xf32>,
    %mul3A_209 = arith.constant 4 : i32
    %mul3A_210 = arith.muli %arg1, %mul3A_209 : i32
    "tpu.region"() ({
      %run_scoped3A = tpu.sem_alloc : memref<!tpu.dma_semaphore, #tpu.memory_space<semaphore_mem>>
      %dma_start3A_237 = arith.constant 0 : i32
      %dma_start3A_238 = tpu.memref_slice %arg11[%mul3A_210, %dma_start3A_237] : memref<64x128xf32, #tpu.memory_space<vmem_shared>> -> memref<4x128xf32, #tpu.memory_space<vmem_shared>>
      %dma_start3A_239 = arith.constant 0 : i32
      %dma_start3A_240 = tpu.memref_slice %arg11[%mul3A_210, %dma_start3A_239] : memref<64x128xf32, #tpu.memory_space<vmem_shared>> -> memref<4x128xf32, #tpu.memory_space<vmem_shared>>
      tpu.enqueue_dma source(%arg10 : memref<4x128xf32, #tpu.memory_space<vmem>>) target(%dma_start3A_240 : memref<4x128xf32, #tpu.memory_space<vmem_shared>>) target_semaphore(%run_scoped3A : memref<!tpu.dma_semaphore, #tpu.memory_space<semaphore_mem>>)
      %dma_wait3A_241 = arith.constant 0 : i32
      %dma_wait3A_242 = tpu.memref_slice %arg11[%mul3A_210, %dma_wait3A_241] : memref<64x128xf32, #tpu.memory_space<vmem_shared>> -> memref<4x128xf32, #tpu.memory_space<vmem_shared>>
      %dma_wait3A_243 = arith.constant 0 : i32
      %dma_wait3A_244 = tpu.memref_slice %arg11[%mul3A_210, %dma_wait3A_243] : memref<64x128xf32, #tpu.memory_space<vmem_shared>> -> memref<4x128xf32, #tpu.memory_space<vmem_shared>>
      tpu.wait_dma2 semaphore(%run_scoped3A : memref<!tpu.dma_semaphore, #tpu.memory_space<semaphore_mem>>) src(%arg10 : memref<4x128xf32, #tpu.memory_space<vmem>>) dst(%dma_wait3A_244 : memref<4x128xf32, #tpu.memory_space<vmem_shared>>)
      tpu.yield
    }) : () -> ()
    %barrier3A = arith.constant 0 : index
    tpu.barrier barrier_id(%barrier3A)
    %add3A_211 = arith.constant 0 : i32
    %add3A_212 = arith.addi %mul3A_2, %add3A_211 : i32
    %dma_wait3A = arith.constant 0 : i32
    %dma_wait3A_213 = arith.constant 0 : i32
    %dma_wait3A_214 = tpu.memref_slice %arg5[%dma_wait3A, %dma_wait3A_213] : memref<320x128xf32, #tpu.memory_space<vmem>> -> memref<80x128xf32, #tpu.memory_space<vmem>>
    %dma_wait3A_215 = arith.constant 0 : i32
    %dma_wait3A_216 = tpu.memref_slice %arg2[%add3A_212, %dma_wait3A_215] : memref<10000x128xf32, #tpu.memory_space<hbm>> -> memref<80x128xf32, #tpu.memory_space<hbm>>
    %dma_wait3A_217 = arith.constant 0 : i32
    %dma_wait3A_218 = arith.constant 0 : i32
    %dma_wait3A_219 = tpu.memref_slice %arg5[%dma_wait3A_217, %dma_wait3A_218] : memref<320x128xf32, #tpu.memory_space<vmem>> -> memref<80x128xf32, #tpu.memory_space<vmem>>
    %dma_wait3A_220 = arith.constant 0 : i32
    %dma_wait3A_221 = tpu.memref_slice %arg2[%add3A_212, %dma_wait3A_220] : memref<10000x128xf32, #tpu.memory_space<hbm>> -> memref<80x128xf32, #tpu.memory_space<hbm>>
    tpu.wait_dma2 semaphore(%arg12 : memref<!tpu.dma_semaphore, #tpu.memory_space<semaphore_mem>>) src(%dma_wait3A_221 : memref<80x128xf32, #tpu.memory_space<hbm>>) dst(%dma_wait3A_219 : memref<80x128xf32, #tpu.memory_space<vmem>>)
    %add3A_222 = arith.constant 0 : i32
    %add3A_223 = arith.addi %mul3A_2, %add3A_222 : i32
    %dma_wait3A_224 = tpu.memref_slice %arg3[%add3A_223] : memref<10000xi32, #tpu.memory_space<hbm>> -> memref<80xi32, #tpu.memory_space<hbm>>
    %dma_wait3A_225 = tpu.memref_slice %arg3[%add3A_223] : memref<10000xi32, #tpu.memory_space<hbm>> -> memref<80xi32, #tpu.memory_space<hbm>>
    tpu.wait_dma2 semaphore(%arg13 : memref<!tpu.dma_semaphore, #tpu.memory_space<semaphore_mem>>) src(%dma_wait3A_225 : memref<80xi32, #tpu.memory_space<hbm>>) dst(%arg6 : memref<80xi32, #tpu.memory_space<vmem>>)
    %convert_element_type3A_226 = arith.extui %not3A_4 : i1 to i32
    %cond3A_227 = arith.constant 0 : i32
    %cond3A_228 = arith.cmpi ne, %convert_element_type3A_226, %cond3A_227 : i32
    scf.if %cond3A_228 {
      %dma_start3A_237 = arith.constant 0 : i32
      %dma_start3A_238 = arith.constant 0 : i32
      %dma_start3A_239 = tpu.memref_slice %arg5[%dma_start3A_237, %dma_start3A_238] : memref<320x128xf32, #tpu.memory_space<vmem>> -> memref<80x128xf32, #tpu.memory_space<vmem>>
      %dma_start3A_240 = arith.constant 0 : i32
      %dma_start3A_241 = arith.constant 0 : i32
      %dma_start3A_242 = tpu.memref_slice %arg11[%dma_start3A_240, %dma_start3A_241] : memref<64x128xf32, #tpu.memory_space<vmem_shared>> -> memref<64x128xf32, #tpu.memory_space<vmem_shared>>
      tpu.enqueue_indirect_dma source(%dma_start3A_239 : memref<80x128xf32, #tpu.memory_space<vmem>>) target(%dma_start3A_242 : memref<64x128xf32, #tpu.memory_space<vmem_shared>>) offsets(%arg6 : memref<80xi32, #tpu.memory_space<vmem>>) semaphore(%arg14 : memref<!tpu.dma_semaphore, #tpu.memory_space<semaphore_mem>>) {add = true}
      %add3A_243 = arith.constant 80 : i32
      %add3A_244 = arith.addi %mul3A_2, %add3A_243 : i32
      %dma_wait3A_245 = arith.constant 80 : i32
      %dma_wait3A_246 = arith.constant 0 : i32
      %dma_wait3A_247 = tpu.memref_slice %arg5[%dma_wait3A_245, %dma_wait3A_246] : memref<320x128xf32, #tpu.memory_space<vmem>> -> memref<80x128xf32, #tpu.memory_space<vmem>>
      %dma_wait3A_248 = arith.constant 0 : i32
      %dma_wait3A_249 = tpu.memref_slice %arg2[%add3A_244, %dma_wait3A_248] : memref<10000x128xf32, #tpu.memory_space<hbm>> -> memref<80x128xf32, #tpu.memory_space<hbm>>
      %dma_wait3A_250 = arith.constant 80 : i32
      %dma_wait3A_251 = arith.constant 0 : i32
      %dma_wait3A_252 = tpu.memref_slice %arg5[%dma_wait3A_250, %dma_wait3A_251] : memref<320x128xf32, #tpu.memory_space<vmem>> -> memref<80x128xf32, #tpu.memory_space<vmem>>
      %dma_wait3A_253 = arith.constant 0 : i32
      %dma_wait3A_254 = tpu.memref_slice %arg2[%add3A_244, %dma_wait3A_253] : memref<10000x128xf32, #tpu.memory_space<hbm>> -> memref<80x128xf32, #tpu.memory_space<hbm>>
      tpu.wait_dma2 semaphore(%arg12 : memref<!tpu.dma_semaphore, #tpu.memory_space<semaphore_mem>>) src(%dma_wait3A_254 : memref<80x128xf32, #tpu.memory_space<hbm>>) dst(%dma_wait3A_252 : memref<80x128xf32, #tpu.memory_space<vmem>>)
      %add3A_255 = arith.constant 80 : i32
      %add3A_256 = arith.addi %mul3A_2, %add3A_255 : i32
      %dma_wait3A_257 = tpu.memref_slice %arg3[%add3A_256] : memref<10000xi32, #tpu.memory_space<hbm>> -> memref<80xi32, #tpu.memory_space<hbm>>
      %dma_wait3A_258 = tpu.memref_slice %arg3[%add3A_256] : memref<10000xi32, #tpu.memory_space<hbm>> -> memref<80xi32, #tpu.memory_space<hbm>>
      tpu.wait_dma2 semaphore(%arg13 : memref<!tpu.dma_semaphore, #tpu.memory_space<semaphore_mem>>) src(%dma_wait3A_258 : memref<80xi32, #tpu.memory_space<hbm>>) dst(%arg7 : memref<80xi32, #tpu.memory_space<vmem>>)
      %dma_start3A_259 = arith.constant 80 : i32
      %dma_start3A_260 = arith.constant 0 : i32
      %dma_start3A_261 = tpu.memref_slice %arg5[%dma_start3A_259, %dma_start3A_260] : memref<320x128xf32, #tpu.memory_space<vmem>> -> memref<80x128xf32, #tpu.memory_space<vmem>>
      %dma_start3A_262 = arith.constant 0 : i32
      %dma_start3A_263 = arith.constant 0 : i32
      %dma_start3A_264 = tpu.memref_slice %arg11[%dma_start3A_262, %dma_start3A_263] : memref<64x128xf32, #tpu.memory_space<vmem_shared>> -> memref<64x128xf32, #tpu.memory_space<vmem_shared>>
      tpu.enqueue_indirect_dma source(%dma_start3A_261 : memref<80x128xf32, #tpu.memory_space<vmem>>) target(%dma_start3A_264 : memref<64x128xf32, #tpu.memory_space<vmem_shared>>) offsets(%arg7 : memref<80xi32, #tpu.memory_space<vmem>>) semaphore(%arg14 : memref<!tpu.dma_semaphore, #tpu.memory_space<semaphore_mem>>) {add = true}
      %add3A_265 = arith.constant 160 : i32
      %add3A_266 = arith.addi %mul3A_2, %add3A_265 : i32
      %dma_wait3A_267 = arith.constant 160 : i32
      %dma_wait3A_268 = arith.constant 0 : i32
      %dma_wait3A_269 = tpu.memref_slice %arg5[%dma_wait3A_267, %dma_wait3A_268] : memref<320x128xf32, #tpu.memory_space<vmem>> -> memref<80x128xf32, #tpu.memory_space<vmem>>
      %dma_wait3A_270 = arith.constant 0 : i32
      %dma_wait3A_271 = tpu.memref_slice %arg2[%add3A_266, %dma_wait3A_270] : memref<10000x128xf32, #tpu.memory_space<hbm>> -> memref<80x128xf32, #tpu.memory_space<hbm>>
      %dma_wait3A_272 = arith.constant 160 : i32
      %dma_wait3A_273 = arith.constant 0 : i32
      %dma_wait3A_274 = tpu.memref_slice %arg5[%dma_wait3A_272, %dma_wait3A_273] : memref<320x128xf32, #tpu.memory_space<vmem>> -> memref<80x128xf32, #tpu.memory_space<vmem>>
      %dma_wait3A_275 = arith.constant 0 : i32
      %dma_wait3A_276 = tpu.memref_slice %arg2[%add3A_266, %dma_wait3A_275] : memref<10000x128xf32, #tpu.memory_space<hbm>> -> memref<80x128xf32, #tpu.memory_space<hbm>>
      tpu.wait_dma2 semaphore(%arg12 : memref<!tpu.dma_semaphore, #tpu.memory_space<semaphore_mem>>) src(%dma_wait3A_276 : memref<80x128xf32, #tpu.memory_space<hbm>>) dst(%dma_wait3A_274 : memref<80x128xf32, #tpu.memory_space<vmem>>)
      %add3A_277 = arith.constant 160 : i32
      %add3A_278 = arith.addi %mul3A_2, %add3A_277 : i32
      %dma_wait3A_279 = tpu.memref_slice %arg3[%add3A_278] : memref<10000xi32, #tpu.memory_space<hbm>> -> memref<80xi32, #tpu.memory_space<hbm>>
      %dma_wait3A_280 = tpu.memref_slice %arg3[%add3A_278] : memref<10000xi32, #tpu.memory_space<hbm>> -> memref<80xi32, #tpu.memory_space<hbm>>
      tpu.wait_dma2 semaphore(%arg13 : memref<!tpu.dma_semaphore, #tpu.memory_space<semaphore_mem>>) src(%dma_wait3A_280 : memref<80xi32, #tpu.memory_space<hbm>>) dst(%arg8 : memref<80xi32, #tpu.memory_space<vmem>>)
      %dma_start3A_281 = arith.constant 160 : i32
      %dma_start3A_282 = arith.constant 0 : i32
      %dma_start3A_283 = tpu.memref_slice %arg5[%dma_start3A_281, %dma_start3A_282] : memref<320x128xf32, #tpu.memory_space<vmem>> -> memref<80x128xf32, #tpu.memory_space<vmem>>
      %dma_start3A_284 = arith.constant 0 : i32
      %dma_start3A_285 = arith.constant 0 : i32
      %dma_start3A_286 = tpu.memref_slice %arg11[%dma_start3A_284, %dma_start3A_285] : memref<64x128xf32, #tpu.memory_space<vmem_shared>> -> memref<64x128xf32, #tpu.memory_space<vmem_shared>>
      tpu.enqueue_indirect_dma source(%dma_start3A_283 : memref<80x128xf32, #tpu.memory_space<vmem>>) target(%dma_start3A_286 : memref<64x128xf32, #tpu.memory_space<vmem_shared>>) offsets(%arg8 : memref<80xi32, #tpu.memory_space<vmem>>) semaphore(%arg14 : memref<!tpu.dma_semaphore, #tpu.memory_space<semaphore_mem>>) {add = true}
      %add3A_287 = arith.constant 240 : i32
      %add3A_288 = arith.addi %mul3A_2, %add3A_287 : i32
      %dma_wait3A_289 = arith.constant 240 : i32
      %dma_wait3A_290 = arith.constant 0 : i32
      %dma_wait3A_291 = tpu.memref_slice %arg5[%dma_wait3A_289, %dma_wait3A_290] : memref<320x128xf32, #tpu.memory_space<vmem>> -> memref<80x128xf32, #tpu.memory_space<vmem>>
      %dma_wait3A_292 = arith.constant 0 : i32
      %dma_wait3A_293 = tpu.memref_slice %arg2[%add3A_288, %dma_wait3A_292] : memref<10000x128xf32, #tpu.memory_space<hbm>> -> memref<80x128xf32, #tpu.memory_space<hbm>>
      %dma_wait3A_294 = arith.constant 240 : i32
      %dma_wait3A_295 = arith.constant 0 : i32
      %dma_wait3A_296 = tpu.memref_slice %arg5[%dma_wait3A_294, %dma_wait3A_295] : memref<320x128xf32, #tpu.memory_space<vmem>> -> memref<80x128xf32, #tpu.memory_space<vmem>>
      %dma_wait3A_297 = arith.constant 0 : i32
      %dma_wait3A_298 = tpu.memref_slice %arg2[%add3A_288, %dma_wait3A_297] : memref<10000x128xf32, #tpu.memory_space<hbm>> -> memref<80x128xf32, #tpu.memory_space<hbm>>
      tpu.wait_dma2 semaphore(%arg12 : memref<!tpu.dma_semaphore, #tpu.memory_space<semaphore_mem>>) src(%dma_wait3A_298 : memref<80x128xf32, #tpu.memory_space<hbm>>) dst(%dma_wait3A_296 : memref<80x128xf32, #tpu.memory_space<vmem>>)
      %add3A_299 = arith.constant 240 : i32
      %add3A_300 = arith.addi %mul3A_2, %add3A_299 : i32
      %dma_wait3A_301 = tpu.memref_slice %arg3[%add3A_300] : memref<10000xi32, #tpu.memory_space<hbm>> -> memref<80xi32, #tpu.memory_space<hbm>>
      %dma_wait3A_302 = tpu.memref_slice %arg3[%add3A_300] : memref<10000xi32, #tpu.memory_space<hbm>> -> memref<80xi32, #tpu.memory_space<hbm>>
      tpu.wait_dma2 semaphore(%arg13 : memref<!tpu.dma_semaphore, #tpu.memory_space<semaphore_mem>>) src(%dma_wait3A_302 : memref<80xi32, #tpu.memory_space<hbm>>) dst(%arg9 : memref<80xi32, #tpu.memory_space<vmem>>)
      %dma_start3A_303 = arith.constant 240 : i32
      %dma_start3A_304 = arith.constant 0 : i32
      %dma_start3A_305 = tpu.memref_slice %arg5[%dma_start3A_303, %dma_start3A_304] : memref<320x128xf32, #tpu.memory_space<vmem>> -> memref<80x128xf32, #tpu.memory_space<vmem>>
      %dma_start3A_306 = arith.constant 0 : i32
      %dma_start3A_307 = arith.constant 0 : i32
      %dma_start3A_308 = tpu.memref_slice %arg11[%dma_start3A_306, %dma_start3A_307] : memref<64x128xf32, #tpu.memory_space<vmem_shared>> -> memref<64x128xf32, #tpu.memory_space<vmem_shared>>
      tpu.enqueue_indirect_dma source(%dma_start3A_305 : memref<80x128xf32, #tpu.memory_space<vmem>>) target(%dma_start3A_308 : memref<64x128xf32, #tpu.memory_space<vmem_shared>>) offsets(%arg9 : memref<80xi32, #tpu.memory_space<vmem>>) semaphore(%arg14 : memref<!tpu.dma_semaphore, #tpu.memory_space<semaphore_mem>>) {add = true}
      %dma_wait3A_309 = arith.constant 0 : i32
      %dma_wait3A_310 = arith.constant 0 : i32
      %dma_wait3A_311 = tpu.memref_slice %arg5[%dma_wait3A_309, %dma_wait3A_310] : memref<320x128xf32, #tpu.memory_space<vmem>> -> memref<80x128xf32, #tpu.memory_space<vmem>>
      %dma_wait3A_312 = arith.constant 0 : i32
      %dma_wait3A_313 = arith.constant 0 : i32
      %dma_wait3A_314 = tpu.memref_slice %arg11[%dma_wait3A_312, %dma_wait3A_313] : memref<64x128xf32, #tpu.memory_space<vmem_shared>> -> memref<64x128xf32, #tpu.memory_space<vmem_shared>>
      tpu.wait_indirect_dma semaphore(%arg14 : memref<!tpu.dma_semaphore, #tpu.memory_space<semaphore_mem>>) src(%dma_wait3A_311 : memref<80x128xf32, #tpu.memory_space<vmem>>) dst(%dma_wait3A_314 : memref<64x128xf32, #tpu.memory_space<vmem_shared>>)
      %dma_wait3A_315 = arith.constant 80 : i32
      %dma_wait3A_316 = arith.constant 0 : i32
      %dma_wait3A_317 = tpu.memref_slice %arg5[%dma_wait3A_315, %dma_wait3A_316] : memref<320x128xf32, #tpu.memory_space<vmem>> -> memref<80x128xf32, #tpu.memory_space<vmem>>
      %dma_wait3A_318 = arith.constant 0 : i32
      %dma_wait3A_319 = arith.constant 0 : i32
      %dma_wait3A_320 = tpu.memref_slice %arg11[%dma_wait3A_318, %dma_wait3A_319] : memref<64x128xf32, #tpu.memory_space<vmem_shared>> -> memref<64x128xf32, #tpu.memory_space<vmem_shared>>
      tpu.wait_indirect_dma semaphore(%arg14 : memref<!tpu.dma_semaphore, #tpu.memory_space<semaphore_mem>>) src(%dma_wait3A_317 : memref<80x128xf32, #tpu.memory_space<vmem>>) dst(%dma_wait3A_320 : memref<64x128xf32, #tpu.memory_space<vmem_shared>>)
      %dma_wait3A_321 = arith.constant 160 : i32
      %dma_wait3A_322 = arith.constant 0 : i32
      %dma_wait3A_323 = tpu.memref_slice %arg5[%dma_wait3A_321, %dma_wait3A_322] : memref<320x128xf32, #tpu.memory_space<vmem>> -> memref<80x128xf32, #tpu.memory_space<vmem>>
      %dma_wait3A_324 = arith.constant 0 : i32
      %dma_wait3A_325 = arith.constant 0 : i32
      %dma_wait3A_326 = tpu.memref_slice %arg11[%dma_wait3A_324, %dma_wait3A_325] : memref<64x128xf32, #tpu.memory_space<vmem_shared>> -> memref<64x128xf32, #tpu.memory_space<vmem_shared>>
      tpu.wait_indirect_dma semaphore(%arg14 : memref<!tpu.dma_semaphore, #tpu.memory_space<semaphore_mem>>) src(%dma_wait3A_323 : memref<80x128xf32, #tpu.memory_space<vmem>>) dst(%dma_wait3A_326 : memref<64x128xf32, #tpu.memory_space<vmem_shared>>)
      %dma_wait3A_327 = arith.constant 240 : i32
      %dma_wait3A_328 = arith.constant 0 : i32
      %dma_wait3A_329 = tpu.memref_slice %arg5[%dma_wait3A_327, %dma_wait3A_328] : memref<320x128xf32, #tpu.memory_space<vmem>> -> memref<80x128xf32, #tpu.memory_space<vmem>>
      %dma_wait3A_330 = arith.constant 0 : i32
      %dma_wait3A_331 = arith.constant 0 : i32
      %dma_wait3A_332 = tpu.memref_slice %arg11[%dma_wait3A_330, %dma_wait3A_331] : memref<64x128xf32, #tpu.memory_space<vmem_shared>> -> memref<64x128xf32, #tpu.memory_space<vmem_shared>>
      tpu.wait_indirect_dma semaphore(%arg14 : memref<!tpu.dma_semaphore, #tpu.memory_space<semaphore_mem>>) src(%dma_wait3A_329 : memref<80x128xf32, #tpu.memory_space<vmem>>) dst(%dma_wait3A_332 : memref<64x128xf32, #tpu.memory_space<vmem_shared>>)
    } else {
    }
    %convert_element_type3A_229 = arith.extui %eq3A_3 : i1 to i32
    %cond3A_230 = arith.constant 0 : i32
    %cond3A_231 = arith.cmpi ne, %convert_element_type3A_229, %cond3A_230 : i32
    scf.if %cond3A_231 {
      %dma_start3A_237 = arith.constant 0 : i32
      %dma_start3A_238 = arith.constant 0 : i32
      %dma_start3A_239 = tpu.memref_slice %arg5[%dma_start3A_237, %dma_start3A_238] : memref<320x128xf32, #tpu.memory_space<vmem>> -> memref<80x128xf32, #tpu.memory_space<vmem>>
      %dma_start3A_240 = arith.constant 0 : i32
      %dma_start3A_241 = arith.constant 0 : i32
      %dma_start3A_242 = tpu.memref_slice %arg11[%dma_start3A_240, %dma_start3A_241] : memref<64x128xf32, #tpu.memory_space<vmem_shared>> -> memref<64x128xf32, #tpu.memory_space<vmem_shared>>
      tpu.enqueue_indirect_dma source(%dma_start3A_239 : memref<80x128xf32, #tpu.memory_space<vmem>>) target(%dma_start3A_242 : memref<64x128xf32, #tpu.memory_space<vmem_shared>>) offsets(%arg6 : memref<80xi32, #tpu.memory_space<vmem>>) semaphore(%arg14 : memref<!tpu.dma_semaphore, #tpu.memory_space<semaphore_mem>>) {add = true}
      %dma_wait3A_243 = arith.constant 0 : i32
      %dma_wait3A_244 = arith.constant 0 : i32
      %dma_wait3A_245 = tpu.memref_slice %arg5[%dma_wait3A_243, %dma_wait3A_244] : memref<320x128xf32, #tpu.memory_space<vmem>> -> memref<80x128xf32, #tpu.memory_space<vmem>>
      %dma_wait3A_246 = arith.constant 0 : i32
      %dma_wait3A_247 = arith.constant 0 : i32
      %dma_wait3A_248 = tpu.memref_slice %arg11[%dma_wait3A_246, %dma_wait3A_247] : memref<64x128xf32, #tpu.memory_space<vmem_shared>> -> memref<64x128xf32, #tpu.memory_space<vmem_shared>>
      tpu.wait_indirect_dma semaphore(%arg14 : memref<!tpu.dma_semaphore, #tpu.memory_space<semaphore_mem>>) src(%dma_wait3A_245 : memref<80x128xf32, #tpu.memory_space<vmem>>) dst(%dma_wait3A_248 : memref<64x128xf32, #tpu.memory_space<vmem_shared>>)
    } else {
    }
    %barrier3A_232 = arith.constant 0 : index
    tpu.barrier barrier_id(%barrier3A_232)
    %mul3A_233 = arith.constant 4 : i32
    %mul3A_234 = arith.muli %arg1, %mul3A_233 : i32
    %mul3A_235 = arith.constant 4 : i32
    %mul3A_236 = arith.muli %arg1, %mul3A_235 : i32
    "tpu.region"() ({
      %run_scoped3A = tpu.sem_alloc : memref<!tpu.dma_semaphore, #tpu.memory_space<semaphore_mem>>
      %dma_start3A_237 = arith.constant 0 : i32
      %dma_start3A_238 = tpu.memref_slice %arg4[%arg0, %mul3A_236, %dma_start3A_237] : memref<2x64x128xf32, #tpu.memory_space<hbm>> -> memref<1x4x128xf32, #tpu.memory_space<hbm>>
      %dma_start3A_239 = tpu.memref_squeeze %dma_start3A_238 : memref<1x4x128xf32, #tpu.memory_space<hbm>> -> memref<4x128xf32, #tpu.memory_space<hbm>>
      %dma_start3A_240 = arith.constant 0 : i32
      %dma_start3A_241 = tpu.memref_slice %arg11[%mul3A_234, %dma_start3A_240] : memref<64x128xf32, #tpu.memory_space<vmem_shared>> -> memref<4x128xf32, #tpu.memory_space<vmem_shared>>
      tpu.enqueue_dma source(%dma_start3A_241 : memref<4x128xf32, #tpu.memory_space<vmem_shared>>) target(%dma_start3A_239 : memref<4x128xf32, #tpu.memory_space<hbm>>) target_semaphore(%run_scoped3A : memref<!tpu.dma_semaphore, #tpu.memory_space<semaphore_mem>>)
      %dma_wait3A_242 = arith.constant 0 : i32
      %dma_wait3A_243 = tpu.memref_slice %arg4[%arg0, %mul3A_236, %dma_wait3A_242] : memref<2x64x128xf32, #tpu.memory_space<hbm>> -> memref<1x4x128xf32, #tpu.memory_space<hbm>>
      %dma_wait3A_244 = tpu.memref_squeeze %dma_wait3A_243 : memref<1x4x128xf32, #tpu.memory_space<hbm>> -> memref<4x128xf32, #tpu.memory_space<hbm>>
      %dma_wait3A_245 = arith.constant 0 : i32
      %dma_wait3A_246 = tpu.memref_slice %arg11[%mul3A_234, %dma_wait3A_245] : memref<64x128xf32, #tpu.memory_space<vmem_shared>> -> memref<4x128xf32, #tpu.memory_space<vmem_shared>>
      tpu.wait_dma2 semaphore(%run_scoped3A : memref<!tpu.dma_semaphore, #tpu.memory_space<semaphore_mem>>) src(%dma_wait3A_246 : memref<4x128xf32, #tpu.memory_space<vmem_shared>>) dst(%dma_wait3A_244 : memref<4x128xf32, #tpu.memory_space<hbm>>)
      tpu.yield
    }) : () -> ()
    return
  }
}

module attributes {stable_mosaic.version = 14 : i64} {
  func.func @_mlp_body(%arg0: memref<2x64x128xf32, #tpu.memory_space<vmem>>, %arg1: memref<1x10000xi32, #tpu.memory_space<vmem>>, %arg2: memref<64x64xf32, #tpu.memory_space<vmem>>, %arg3: memref<192x128xf32, #tpu.memory_space<vmem>>, %arg4: memref<1x128xf32, #tpu.memory_space<vmem>>, %arg5: memref<128x64xf32, #tpu.memory_space<vmem>>, %arg6: memref<1x64xf32, #tpu.memory_space<vmem>>, %arg7: memref<64x64xf32, #tpu.memory_space<vmem>>) attributes {dimension_semantics = [], scalar_prefetch = 0 : i64, scratch_operands = 0 : i64, tpu.core_type = #tpu.core_type<tc>} {
    %get3A = arith.constant 0 : index
    %get3A_0 = arith.constant 0 : index
    %get3A_1 = arith.constant 0 : index
    %get3A_2 = vector.load %arg0[%get3A, %get3A_0, %get3A_1] : memref<2x64x128xf32, #tpu.memory_space<vmem>>, vector<1x64x128xf32>
    %get3A_3 = vector.shape_cast %get3A_2 : vector<1x64x128xf32> to vector<64x128xf32>
    %get3A_4 = arith.constant 1 : index
    %get3A_5 = arith.constant 0 : index
    %get3A_6 = arith.constant 0 : index
    %get3A_7 = vector.load %arg0[%get3A_4, %get3A_5, %get3A_6] : memref<2x64x128xf32, #tpu.memory_space<vmem>>, vector<1x64x128xf32>
    %get3A_8 = vector.shape_cast %get3A_7 : vector<1x64x128xf32> to vector<64x128xf32>
    %add3A = arith.addf %get3A_3, %get3A_8 : vector<64x128xf32>
    %get3A_9 = arith.constant 0 : index
    %get3A_10 = arith.constant 0 : index
    %get3A_11 = vector.load %arg1[%get3A_9, %get3A_10] : memref<1x10000xi32, #tpu.memory_space<vmem>>, vector<1x10000xi32>
    %iota3A = tpu.iota {dimensions = array<i32: 0>} : vector<64x1xi32>
    %eq3A = vector.broadcast %iota3A : vector<64x1xi32> to vector<64x10000xi32>
    %eq3A_12 = vector.broadcast %get3A_11 : vector<1x10000xi32> to vector<64x10000xi32>
    %eq3A_13 = arith.cmpi eq, %eq3A, %eq3A_12 : vector<64x10000xi32>
    %convert_element_type3A = arith.extui %eq3A_13 : vector<64x10000xi1> to vector<64x10000xi32>
    %convert_element_type3A_14 = arith.sitofp %convert_element_type3A : vector<64x10000xi32> to vector<64x10000xf32>
    %reduce_sum3A = arith.constant dense<0.000000e+00> : vector<64xf32>
    %reduce_sum3A_15 = vector.multi_reduction <add>, %convert_element_type3A_14, %reduce_sum3A [1] : vector<64x10000xf32> to vector<64xf32>
    %broadcast_in_dim3A = vector.shape_cast %reduce_sum3A_15 : vector<64xf32> to vector<64x1xf32>
    %max3A = arith.constant 1.000000e+00 : f32
    %max3A_16 = vector.broadcast %max3A : f32 to vector<64x1xf32>
    %max3A_17 = arith.maximumf %broadcast_in_dim3A, %max3A_16 : vector<64x1xf32>
    %div3A = vector.broadcast %max3A_17 : vector<64x1xf32> to vector<64x128xf32>
    %div3A_18 = arith.divf %add3A, %div3A : vector<64x128xf32>
    %get3A_19 = arith.constant 0 : index
    %get3A_20 = arith.constant 0 : index
    %get3A_21 = vector.load %arg2[%get3A_19, %get3A_20] : memref<64x64xf32, #tpu.memory_space<vmem>>, vector<64x64xf32>
    %get3A_22 = arith.constant 0 : index
    %get3A_23 = arith.constant 0 : index
    %get3A_24 = vector.load %arg3[%get3A_22, %get3A_23] : memref<192x128xf32, #tpu.memory_space<vmem>>, vector<64x128xf32>
    %dot_general3A = arith.constant dense<0.000000e+00> : vector<64x128xf32>
    %dot_general3A_25 = tpu.matmul %get3A_21, %get3A_24, %dot_general3A {dimension_numbers = #tpu.dot_dimension_numbers<[1], [0], [0], [1], [0, 0, 1, 1], [], []>, transpose_lhs_hint = false} : vector<64x64xf32>, vector<64x128xf32>, vector<64x128xf32> -> vector<64x128xf32>
    %get3A_26 = arith.constant 64 : index
    %get3A_27 = arith.constant 0 : index
    %get3A_28 = vector.load %arg3[%get3A_26, %get3A_27] : memref<192x128xf32, #tpu.memory_space<vmem>>, vector<128x128xf32>
    %dot_general3A_29 = arith.constant dense<0.000000e+00> : vector<64x128xf32>
    %dot_general3A_30 = tpu.matmul %div3A_18, %get3A_28, %dot_general3A_29 {dimension_numbers = #tpu.dot_dimension_numbers<[1], [0], [0], [1], [0, 0, 1, 1], [], []>, transpose_lhs_hint = false} : vector<64x128xf32>, vector<128x128xf32>, vector<64x128xf32> -> vector<64x128xf32>
    %add3A_31 = arith.addf %dot_general3A_25, %dot_general3A_30 : vector<64x128xf32>
    %get3A_32 = arith.constant 0 : index
    %get3A_33 = arith.constant 0 : index
    %get3A_34 = vector.load %arg4[%get3A_32, %get3A_33] : memref<1x128xf32, #tpu.memory_space<vmem>>, vector<1x128xf32>
    %add3A_35 = vector.broadcast %get3A_34 : vector<1x128xf32> to vector<64x128xf32>
    %add3A_36 = arith.addf %add3A_31, %add3A_35 : vector<64x128xf32>
    %max3A_37 = arith.constant 0.000000e+00 : f32
    %max3A_38 = vector.broadcast %max3A_37 : f32 to vector<64x128xf32>
    %max3A_39 = arith.maximumf %add3A_36, %max3A_38 : vector<64x128xf32>
    %get3A_40 = arith.constant 0 : index
    %get3A_41 = arith.constant 0 : index
    %get3A_42 = vector.load %arg5[%get3A_40, %get3A_41] : memref<128x64xf32, #tpu.memory_space<vmem>>, vector<128x64xf32>
    %dot_general3A_43 = arith.constant dense<0.000000e+00> : vector<64x64xf32>
    %dot_general3A_44 = tpu.matmul %max3A_39, %get3A_42, %dot_general3A_43 {dimension_numbers = #tpu.dot_dimension_numbers<[1], [0], [0], [1], [0, 0, 1, 1], [], []>, transpose_lhs_hint = false} : vector<64x128xf32>, vector<128x64xf32>, vector<64x64xf32> -> vector<64x64xf32>
    %get3A_45 = arith.constant 0 : index
    %get3A_46 = arith.constant 0 : index
    %get3A_47 = vector.load %arg6[%get3A_45, %get3A_46] : memref<1x64xf32, #tpu.memory_space<vmem>>, vector<1x64xf32>
    %add3A_48 = vector.broadcast %get3A_47 : vector<1x64xf32> to vector<64x64xf32>
    %add3A_49 = arith.addf %dot_general3A_44, %add3A_48 : vector<64x64xf32>
    %swap3A = arith.constant 0 : index
    %swap3A_50 = arith.constant 0 : index
    %swap3A_51 = vector.load %arg7[%swap3A, %swap3A_50] : memref<64x64xf32, #tpu.memory_space<vmem>>, vector<64x64xf32>
    tpu.vector_store %arg7[%swap3A, %swap3A_50], %add3A_49 {strides = array<i32>} : memref<64x64xf32, #tpu.memory_space<vmem>>, vector<64x64xf32>,
    return
  }
}

</mosaic_0001>

<sc_bundles>
// kernel: kernel.4.cloned.1.call-start
scs
__scs_entry_jumppad:
0x0: {  	(pc) =	sbr.rel $0x88, $3  }
0x1: {  	(tag) =	ssettag $0x0;
	lr =	simm.s32 $0x1  }
0x2: {  	[smem:$0x3F9A] =	sst lr;
	_ =	strace $0xD0000000  }
0x3: {  	_ = 	snop  }
0x4: {  	_ = 	snop  }
0x5: {  	_ = 	snop  }
0x6: {  	_ = 	snop  }
0x7: {  	_ = 	snop  }
__scs_overlays_trampoline_lowered:
0x8: {  	[smem:$0x3FA9] =	sst s0  }
0x9: {  	[smem:$0x3FAA] =	sst s1  }
0xa: {  	[smem:$0x3FAB] =	sst s2  }
0xb: {  	[smem:$0x3FAC] =	sst s3  }
0xc: {  	[smem:$0x3FAD] =	sst s4  }
0xd: {  	[smem:$0x3FAE] =	sst s5  }
0xe: {  	[smem:$0x3FAF] =	sst s6  }
0xf: {  	[smem:$0x3FB0] =	sst s7  }
0x10: {  	[smem:$0x3FB1] =	sst s8  }
0x11: {  	[smem:$0x3FB2] =	sst s9;
	s0 =	simm.s32 @!p0 $0x0  }
0x12: {  	s1 =	sld [smem:$0x3F98];
	s0 =	simm.s32 @p0 $0x1  }
0x13: {  	[smem:$0x3FB3] =	sst s0;
	s0 =	simm.s32 @!p1 $0x0  }
0x14: {  	s2 =	sld [smem:$0x3F97];
	s0 =	simm.s32 @p1 $0x1  }
0x15: {  	[smem:$0x3FB4] =	sst s0;
	s0 =	simm.s32 @!p2 $0x0  }
0x16: {  	s3 =	sld [smem:$0x3FDB];
	s0 =	simm.s32 @p2 $0x1  }
0x17: {  	s4 =	simm.s32 $0x1BF5;
	[smem:$0x3FB6] =	sst s0  }
0x18: {  	s0 =	sld [smem:$0x3F99];
	_ =	swait.ge [sflag:s4], $0x0  }
0x19: {  	s7 =	sld [smem:$0x3F9A]  }
0x1a: {  	s8 =	sadd.s32 $0xFFFFE003, lr  }
0x1b: {  	s9 =	sadd.s32 $0xFFFFFEF7, lr;
	s5 =	simm.s32 $0xFFFFFFFF;
	p2 =	slt.u32 s8, $0xFFFFF086  }
0x1c: {  	p1 =	slt.u32 s9, $0xF7A;
	s5 =	simm.s32 @!p2 $0x0  }
0x1d: {  	s5 =	simm.s32 @p1 $0x1;
	p0 =	seq.s32 s7, s2  }
0x1e: {  	s7 =	smul.u32 @!p0 $0xF7A, s2;
	p2 =	seq.s32 @!p0 s5, $0x0  }
0x1f: {  	s9 =	smul.u32 $0xF7A, s1;
	s8 =	simm.s32 @!p0 $0x1BF5;
	p2 =	por !p2, p0  }
0x20: {  	[sflag:s8] =	ssyncset.s32 @!p0 $0xFFFFF086;
	s6 =	sadd.s32 @!p0 s3, s7;
	s7 =	simm.s32 @!p0 $0x108  }
0x21: {  	s3 =	sadd.s32 s3, s9;
	s6 =	sadd.s32 @!p0 $0x88, s6;
	s7 =	simm.s32 @p2 $0x1082  }
0x22: {  	[simem:s7], [sflag:s8] =	dma.local @!p0 [hbm:s6], $0xF7A  }
0x23: {  	s9 =	sor.u32 $0xD0000000, s2;
	s6 =	simm.s32 $0x108;
	_ =	swait.ge @!p0 [sflag:s8], $0x0  }
0x24: {  	s3 =	sadd.s32 $0x88, s3;
	s6 =	simm.s32 @!p1 $0x1082;
	[sflag:s4] =	ssyncset.s32 $0xFFFFF086  }
0x25: {  	[simem:s6], [sflag:s4] =	dma.local [hbm:s3], $0xF7A  }
0x26: {  	[smem:$0x3F9A] =	sst s1;
	(tag) =	ssettag s2;
	_ =	strace s9  }
0x27: {  	s1 =	sld [smem:$0x3FAA]  }
0x28: {  	s2 =	sld [smem:$0x3FAB]  }
0x29: {  	s4 =	sld [smem:$0x3FAD]  }
0x2a: {  	p0 =	seq.s32 s5, $0x0;
	s5 =	sld [smem:$0x3FAE]  }
0x2b: {  	s6 =	sld [smem:$0x3FAF]  }
0x2c: {  	s7 =	sld [smem:$0x3FB0]  }
0x2d: {  	s3 =	simm.s32 $0x108;
	s8 =	sld [smem:$0x3FB1]  }
0x2e: {  	s3 =	simm.s32 @!p0 $0x1082;
	s9 =	sld [smem:$0x3FB2]  }
0x2f: {  	lr =	sadd.s32 s0, s3;
	s0 =	sld [smem:$0x3FA9]  }
0x30: {  	s3 =	sld [smem:$0x3FAC]  }
0x31: {  	[smem:$0x3FB5] =	sst s10  }
0x32: {  	s10 =	sld [smem:$0x3FB3];
	_ =	sdelay $0x3  }
0x33: {  	p0 =	seq.s32 s10, $0x1;
	s10 =	sld [smem:$0x3FB5];
	_ =	sdelay $0x3  }
0x34: {  	[smem:$0x3FB5] =	sst s10  }
0x35: {  	s10 =	sld [smem:$0x3FB4];
	_ =	sdelay $0x3  }
0x36: {  	p1 =	seq.s32 s10, $0x1;
	s10 =	sld [smem:$0x3FB5];
	_ =	sdelay $0x3  }
0x37: {  	[smem:$0x3FB5] =	sst s10  }
0x38: {  	s10 =	sld [smem:$0x3FB6]  }
0x39: {  	_ = 	snop;
	(pc) =	sbr.ind lr, $3  }
0x3a: {  	_ = 	snop  }
0x3b: {  	_ = 	snop  }
0x3c: {  	p2 =	seq.s32 s10, $0x1;
	s10 =	sld [smem:$0x3FB5]  }
0x3d: {  	_ =	shalt  }
0x3e: {  	_ =	shalt  }
0x3f: {  	_ =	shalt  }
0x40: {  	_ =	shalt  }
0x41: {  	_ =	shalt  }
0x42: {  	_ =	shalt  }
0x43: {  	_ =	shalt  }
0x44: {  	_ =	shalt  }
0x45: {  	_ =	shalt  }
0x46: {  	_ =	shalt  }
0x47: {  	_ =	shalt  }
0x48: {  	_ =	shalt  }
0x49: {  	_ =	shalt  }
0x4a: {  	_ =	shalt  }
0x4b: {  	_ =	shalt  }
0x4c: {  	_ =	shalt  }
0x4d: {  	_ =	shalt  }
0x4e: {  	_ =	shalt  }
0x4f: {  	_ =	shalt  }
0x50: {  	_ =	shalt  }
0x51: {  	_ =	shalt  }
0x52: {  	_ =	shalt  }
0x53: {  	_ =	shalt  }
0x54: {  	_ =	shalt  }
0x55: {  	_ =	shalt  }
0x56: {  	_ =	shalt  }
0x57: {  	_ =	shalt  }
0x58: {  	_ =	shalt  }
0x59: {  	_ =	shalt  }
0x5a: {  	_ =	shalt  }
0x5b: {  	_ =	shalt  }
0x5c: {  	_ =	shalt  }
0x5d: {  	_ =	shalt  }
0x5e: {  	_ =	shalt  }
0x5f: {  	_ =	shalt  }
0x60: {  	_ =	shalt  }
0x61: {  	_ =	shalt  }
0x62: {  	_ =	shalt  }
0x63: {  	_ =	shalt  }
0x64: {  	_ =	shalt  }
0x65: {  	_ =	shalt  }
0x66: {  	_ =	shalt  }
0x67: {  	_ =	shalt  }
0x68: {  	_ =	shalt  }
0x69: {  	_ =	shalt  }
0x6a: {  	_ =	shalt  }
0x6b: {  	_ =	shalt  }
0x6c: {  	_ =	shalt  }
0x6d: {  	_ =	shalt  }
0x6e: {  	_ =	shalt  }
0x6f: {  	_ =	shalt  }
0x70: {  	_ =	shalt  }
0x71: {  	_ =	shalt  }
0x72: {  	_ =	shalt  }
0x73: {  	_ =	shalt  }
0x74: {  	_ =	shalt  }
0x75: {  	_ =	shalt  }
0x76: {  	_ =	shalt  }
0x77: {  	_ =	shalt  }
0x78: {  	_ =	shalt  }
0x79: {  	_ =	shalt  }
0x7a: {  	_ =	shalt  }
0x7b: {  	_ =	shalt  }
0x7c: {  	_ =	shalt  }
0x7d: {  	_ =	shalt  }
0x7e: {  	_ =	shalt  }
0x7f: {  	_ =	shalt  }
0x80: {  	_ =	shalt  }
0x81: {  	_ =	shalt  }
0x82: {  	_ =	shalt  }
0x83: {  	_ =	shalt  }
0x84: {  	_ =	shalt  }
0x85: {  	_ =	shalt  }
0x86: {  	_ =	shalt  }
0x87: {  	_ =	shalt  }
.Lfunc_end0:
.L_simem_size_0:
called_computation_lowered:
.L_overlay_start_0:
0x88: {  	s2 =	sld [smem:$0x3FD9]  }
0x89: {  	s3 =	sld [smem:$0x3FFE];
	_ =	sdelay $0x1  }
0x8a: {  	s1 =	srdreg.scid  }
0x8b: {  	s0 =	sand.u32 $0x1, s1  }
0x8c: {  	s17 =	sshll.u32 s0, $0xA;
	s2 =	sadd.s32 s3, s2  }
0x8d: {  	s2 =	sadd.s32 s2, s17  }
0x8e: {  	[smem:$0x3FC1] =	sst s2  }
0x8f: {  	_ = 	snop  }
0x90: {  	s2 =	sld [smem:$0x3FC9]  }
0x91: {  	s18 =	sld [smem:$0x3FC7];
	(tm) =	ssettm $0x1  }
0x92: {  	s4 =	sld [smem:$0x3FFB];
	_ =	sdelay $0x3  }
0x93: {  	_ =	strace s4  }
0x94: {  	s4 =	sld [smem:$0x3FFC];
	_ =	sdelay $0x3  }
0x95: {  	_ =	strace s4  }
0x96: {  	s4 =	sld [smem:$0x3FFD];
	_ =	sdelay $0x3  }
0x97: {  	_ =	strace s4  }
0x98: {  	_ =	strace $0x8FFFFFFF  }
0x99: {  	s19 =	sld [smem:$0x3FDB];
	_ =	sdelay $0x1  }
0x9a: {  	s5 =	simm.s32 $_scs_section_size  }
0x9b: {  	s6 =	simm.s32 $_size__tile_overlayer_lowered;
	s7 =	simm.s32 $_tile_overlayer_lowered  }
0x9c: {  	s22 =	simm.s32 $0x1BFF;
	s21 =	sshll.u32 s7, $0x1;
	s4 =	sadd.s32 s5, s19  }
0x9d: {  	s8 =	simm.s32 $0x0;
	s20 =	sshll.u32 s6, $0x1;
	s6 =	sadd.s32 s21, s4  }
0x9e: {  	[timem:s8], [sflag:s22] =	dma.local [hbm:s6], s20  }
0x9f: {  	_ =	swait.ge [sflag:s22], s20  }
0xa0: {  	s5 =	ssub.s32 $0x0, s20;
	[sflag:s22] =	ssyncset.done $0x0  }
0xa1: {  	[sflag:s22] =	ssyncadd.s32 s5;
	_ =	sdelay $0x1  }
0xa2: {  	s23 =	simm.s32 $0x1B8B  }
0xa3: {  	_ =	swait.ge [sflag:s23], $0x1  }
0xa4: {  	[sflag:s23] =	ssyncset.done $0x0  }
0xa5: {  	s25 =	simm.s32 $0x1B8E;
	s24 =	sld [smem:$0x3FFE];
	[sflag:s23] =	ssyncadd.s32 $0xFFFFFFFF  }
0xa6: {  	s26 =	simm.s32 $execute0_lowered;
	[smem:$0x3FD2] =	sst s25  }
0xa7: {  	s6 =	sshll.u32 s26, $0x1;
	_ =	strace $0x80000046;
	[dreg:$0x1] =	wrdreg $0xFFFFFFFF  }
0xa8: {  	s28 =	simm.s32 $_size_execute0_lowered;
	s4 =	sadd.s32 s4, s6;
	[dreg:$0x0] =	wrdreg $0x0  }
0xa9: {  	s6 =	sshll.u32 s28, $0x1;
	[dreg:$0x2] =	wrdreg s4  }
0xaa: {  	[dreg:$0x3] =	wrdreg s6  }
0xab: {  	[dreg:$0x4] =	wrdreg $0xC0  }
0xac: {  	_ =	task [dreg:s8], $0x5FFFF  }
0xad: {  	[dreg:$0x1] =	wrdreg $0xFFFFFFFF  }
0xae: {  	[dreg:$0x0] =	wrdreg $0x60  }
0xaf: {  	[dreg:$0x2] =	wrdreg s2  }
0xb0: {  	[dreg:$0x3] =	wrdreg s18  }
0xb1: {  	[dreg:$0x4] =	wrdreg s24  }
0xb2: {  	[dreg:$0x5] =	wrdreg $0xA4000  }
0xb3: {  	[dreg:$0x6] =	wrdreg $0x9  }
0xb4: {  	_ =	task.clear_ibuf [dreg:s8], $0x7FFFF;
	_ =	strace $0x90000046  }
0xb5: {  	s29 =	simm.s32 $0x9;
	_ =	strace $0x80000048  }
0xb6: {  	_ =	swait.ge [sflag:s29], $0x1  }
0xb7: {  	[sflag:s29] =	ssyncadd.s32 $0xFFFFFFFF  }
0xb8: {  	_ =	strace $0x90000048  }
0xb9: {  	_ =	sfence  }
0xba: {  	s30 =	sld [smem:$0x0];
	_ =	sdelay $0x2  }
0xbb: {  	s31 =	sshll.u32 s1, $0xD;
	s1 =	sshrl.u32 s1, $0x2  }
0xbc: {  	s3 =	sand.u32 $0x4000, s31;
	s1 =	sadd.s32 s1, s30  }
0xbd: {  	s0 =	sor.u32 s3, s0;
	s1 =	sshll.u32 s1, $0x11  }
0xbe: {  	s0 =	sor.u32 s1, s0  }
0xbf: {  	s0 =	sadd.s32 $0x8F2B, s0  }
0xc0: {  	[sflag:s0] =	ssyncadd.remote.s32 $0x1  }
0xc1: {  	_ =	sfence.sel $0xFFFF  }
0xc2: {  	[dreg:$0x0] =	wrdreg $0xFFFFFFFF;
	(pc) =	sbr.abs _section_cstart, $3  }
0xc3: {  	[dreg:$0x1] =	wrdreg $0xFFFFFFFF  }
0xc4: {  	_ =	task.clear_ibuf [dreg:s8], $0x2FFFF;
	_ =	strace $0x9FFFFFFF  }
0xc5: {  	(tm) =	ssettm $0x7FFFFFFF  }
tec
execute0_lowered:
.L_overlay_start_1:
0x0: {  	(tag) =	ssettag $0x1  }
0x1: {  	s9 =	rddreg [dreg:$0x0]  }
0x2: {  	s0 =	stileid.u32;
	s1 =	srdreg.scid  }
0x3: {  	s12 =	rddreg [dreg:$0x1];
	s1 =	sand.u32 $0x1, s1;
	s3 =	sshll.u32 s0, $0x1  }
0x4: {  	s21 =	rddreg [dreg:$0x2];
	s6 =	sor.u32 s1, s3  }
0x5: {  	s2 =	rddreg [dreg:$0x3];
	s3 =	simm.s32 $0x0;
	s4 =	smul.u32 $0x1400, s6  }
0x6: {  	[smem:$0x7FF] =	sst s3;
	s8 =	smul.u32 $0x140, s6;
	p0 =	seq.s32 s6, $0x1F  }
0x7: {  	_ =	strace $0x80000047;
	s6 =	simm.s32 @!p0 $0x2800;
	s4 =	sadd.s32 s9, s4  }
0x8: {  	s7 =	sadd.s32 $0x50, s8;
	s26 =	sshrl.u32 s8, $0x3;
	[dreg:$0x5] =	wrdreg s4  }
0x9: {  	s13 =	sadd.s32 $0xA0, s8;
	s5 =	sshll.u32 s7, $0x4;
	s10 =	rddreg [dreg:$0x5]  }
0xa: {  	[tilespmem:s3], [sflag:$0x1] =	stream.linear.gather [hbm4b:s10+s3], $0x2800, $0x38;
	[tilespmem:$0xA600] =	vst v63  }
0xb: {  	s4 =	sadd.s32 s12, s26;
	s11 =	sshrl.u32 s7, $0x3;
	s7 =	simm.s32 $0xA000  }
0xc: {  	[tilespmem:s7], [sflag:$0x2] =	stream.linear.gather [hbm4b:s4+s3], $0x50, $0x38;
	[tilespmem:$0xA600] =	vst v63  }
0xd: {  	s18 =	sadd.s32 $0xF0, s8;
	s5 =	sadd.s32 s9, s5;
	s10 =	simm.s32 @!p0 $0x0  }
0xe: {  	[tilespmem:s6], [sflag:$0x1] =	stream.linear.gather @!p0 [hbm4b:s5+s10], $0x2800, $0x38;
	[tilespmem:$0xA600] =	vst v63  }
0xf: {  	s15 =	sshll.u32 s13, $0x4;
	s14 =	sadd.s32 s12, s11;
	s11 =	simm.s32 @!p0 $0xA080  }
0x10: {  	[tilespmem:s11], [sflag:$0x2] =	stream.linear.gather @!p0 [hbm4b:s14+s10], $0x50, $0x38;
	[tilespmem:$0xA600] =	vst v63  }
0x11: {  	s8 =	simm.s32 @!p0 $0x5000;
	s13 =	sshrl.u32 s13, $0x3;
	s15 =	sadd.s32 s9, s15  }
0x12: {  	[tilespmem:s8], [sflag:$0x1] =	stream.linear.gather @!p0 [hbm4b:s15+s10], $0x2800, $0x38;
	[tilespmem:$0xA600] =	vst v63  }
0x13: {  	s17 =	sshll.u32 s18, $0x4;
	s16 =	sadd.s32 s12, s13;
	s13 =	simm.s32 @!p0 $0xA100  }
0x14: {  	[tilespmem:s13], [sflag:$0x2] =	stream.linear.gather @!p0 [hbm4b:s16+s10], $0x50, $0x38;
	[tilespmem:$0xA600] =	vst v63  }
0x15: {  	s18 =	sshrl.u32 s18, $0x3;
	s17 =	sadd.s32 s9, s17;
	s9 =	simm.s32 @!p0 $0x7800  }
0x16: {  	[tilespmem:s9], [sflag:$0x1] =	stream.linear.gather @!p0 [hbm4b:s17+s10], $0x2800, $0x38;
	[tilespmem:$0xA600] =	vst v63  }
0x17: {  	s18 =	sadd.s32 s12, s18;
	s12 =	simm.s32 @!p0 $0xA180  }
0x18: {  	v0 =	vimm.f32 $0.0e+00;
	[tilespmem:s12], [sflag:$0x2] =	stream.linear.gather @!p0 [hbm4b:s18+s10], $0x50, $0x38;
	[tilespmem:$0xA600] =	vst v63  }
0x19: {  	[tilespmem:$0xA3F0] =	vst v0  }
0x1a: {  	[tilespmem:$0xA3E0] =	vst v0  }
0x1b: {  	[tilespmem:$0xA3D0] =	vst v0  }
0x1c: {  	[tilespmem:$0xA3C0] =	vst v0  }
0x1d: {  	[tilespmem:$0xA3B0] =	vst v0  }
0x1e: {  	[tilespmem:$0xA3A0] =	vst v0  }
0x1f: {  	[tilespmem:$0xA390] =	vst v0  }
0x20: {  	[tilespmem:$0xA380] =	vst v0  }
0x21: {  	[tilespmem:$0xA370] =	vst v0  }
0x22: {  	[tilespmem:$0xA360] =	vst v0  }
0x23: {  	[tilespmem:$0xA350] =	vst v0  }
0x24: {  	[tilespmem:$0xA340] =	vst v0  }
0x25: {  	[tilespmem:$0xA330] =	vst v0  }
0x26: {  	[tilespmem:$0xA320] =	vst v0  }
0x27: {  	[tilespmem:$0xA310] =	vst v0  }
0x28: {  	[tilespmem:$0xA300] =	vst v0  }
0x29: {  	[tilespmem:$0xA2F0] =	vst v0  }
0x2a: {  	[tilespmem:$0xA2E0] =	vst v0  }
0x2b: {  	[tilespmem:$0xA2D0] =	vst v0  }
0x2c: {  	[tilespmem:$0xA2C0] =	vst v0  }
0x2d: {  	[tilespmem:$0xA2B0] =	vst v0  }
0x2e: {  	[tilespmem:$0xA2A0] =	vst v0  }
0x2f: {  	[tilespmem:$0xA290] =	vst v0  }
0x30: {  	[tilespmem:$0xA280] =	vst v0  }
0x31: {  	[tilespmem:$0xA270] =	vst v0  }
0x32: {  	[tilespmem:$0xA260] =	vst v0  }
0x33: {  	[tilespmem:$0xA250] =	vst v0  }
0x34: {  	[tilespmem:$0xA240] =	vst v0  }
0x35: {  	[tilespmem:$0xA230] =	vst v0  }
0x36: {  	[tilespmem:$0xA220] =	vst v0  }
0x37: {  	s19 =	sshll.u32 s0, $0x9;
	[tilespmem:$0xA200] =	vst v0  }
0x38: {  	s23 =	simm.s32 $0xA200;
	s20 =	sadd.s32 s19, s2;
	s19 =	simm.s32 $0x4;
	[tilespmem:$0xA210] =	vst v0  }
0x39: {  	[spmem:s20] =	stream.linear.scatter [tilespmem:s23], [sflag:$0x4], $0x200, $0x38;
	[tilespmem:$0xA600] =	vst v63  }
0x3a: {  	_ =	swait.ge [sflag:s19], $0x200  }
0x3b: {  	[sflag:s19] =	ssyncset.done $0x0  }
0x3c: {  	[sflag:s19] =	ssyncadd.s32 $0xFFFFFE00  }
0x3d: {  	s28 =	simm.s32 $0x2;
	s26 =	simm.s32 $0x1;
	[bflag:$0x0] =	sbarrier.arrive $0xFFFF  }
0x3e: {  	s30 =	simm.s32 $0x50;
	s22 =	sshll.u32 s0, $0x6;
	_ =	swait.ge [sflag:s26], $0x2800  }
0x3f: {  	s21 =	sadd.s32 s22, s21;
	s24 =	ssub.s32 $0x2, s1;
	[sflag:s26] =	ssyncset.done $0x0  }
0x40: {  	s1 =	sshll.u32 s1, $0xA;
	s29 =	sshrl.u32 s24, $0x1;
	[sflag:s26] =	ssyncadd.s32 $0xFFFFD800  }
0x41: {  	s1 =	sadd.s32 s1, s21;
	s24 =	ssub.s32 s24, s29;
	_ =	swait.ge [sflag:s28], $0x50  }
0x42: {  	s25 =	simm.s32 @!p0 $0x1;
	s24 =	smax.u32 s24, $0x1;
	[sflag:s28] =	ssyncset.done $0x0  }
0x43: {  	s21 =	sadd.s32 $0x1200, s1;
	s1 =	sadd.s32 $0xFFFFFFFF, s24;
	[sflag:s28] =	ssyncadd.s32 $0xFFFFFFB0  }
0x44: {  	[spmem:s2] =	stream.indirect.scatter.add.f32 [tilespmem:s3], [sflag:$0x3], $0x80, s7, s30, $0xb8;
	[tilespmem:$0xA600] =	vst v63  }
0x45: {  	p1 =	sne.s32 s1, $0x0;
	_ =	swait.ge @!p0 [sflag:s25], $0x2800  }
.Ltmp0:
0x46: {  	[sflag:s25] =	ssyncset.done @!p0 $0x0;
	(pc) =	sbr.rel @!p1 .LBB2_2-.Ltmp0, $4  }
0x47: {  	s29 =	simm.s32 @!p0 $0x2;
	[sflag:s25] =	ssyncadd.s32 @!p0 $0xFFFFD800  }
0x48: {  	_ =	swait.ge @!p0 [sflag:s29], $0x50  }
0x49: {  	s22 =	sor.u32 $0x1C04, s22;
	[sflag:s29] =	ssyncset.done @!p0 $0x0  }
0x4a: {  	s31 =	simm.s32 @!p0 $0x50;
	s24 =	simm.s32 $0x3;
	[sflag:s29] =	ssyncadd.s32 @!p0 $0xFFFFFFB0  }
.LBB2_1:
0x4b: {  	[spmem:s2] =	stream.indirect.scatter.add.f32 @!p0 [tilespmem:s6], [sflag:$0x3], $0x80, s11, s31, $0xb8;
	[tilespmem:$0xA600] =	vst v63  }
0x4c: {  	_ =	swait.ge @!p0 [sflag:s25], $0x2800  }
0x4d: {  	[sflag:s25] =	ssyncset.done @!p0 $0x0  }
0x4e: {  	[sflag:s25] =	ssyncadd.s32 @!p0 $0xFFFFD800  }
0x4f: {  	_ =	swait.ge @!p0 [sflag:s29], $0x50  }
0x50: {  	[sflag:s29] =	ssyncset.done @!p0 $0x0  }
0x51: {  	[sflag:s29] =	ssyncadd.s32 @!p0 $0xFFFFFFB0  }
0x52: {  	[spmem:s2] =	stream.indirect.scatter.add.f32 @!p0 [tilespmem:s8], [sflag:$0x3], $0x80, s13, s31, $0xb8;
	[tilespmem:$0xA600] =	vst v63  }
0x53: {  	_ =	swait.ge @!p0 [sflag:s25], $0x2800  }
0x54: {  	[sflag:s25] =	ssyncset.done @!p0 $0x0  }
0x55: {  	[sflag:s25] =	ssyncadd.s32 @!p0 $0xFFFFD800  }
0x56: {  	_ =	swait.ge @!p0 [sflag:s29], $0x50  }
0x57: {  	[sflag:s29] =	ssyncset.done @!p0 $0x0  }
0x58: {  	s0 =	simm.s32 @!p0 $0x3;
	[sflag:s29] =	ssyncadd.s32 @!p0 $0xFFFFFFB0  }
0x59: {  	[spmem:s2] =	stream.indirect.scatter.add.f32 @!p0 [tilespmem:s9], [sflag:$0x3], $0x80, s12, s31, $0xb8;
	[tilespmem:$0xA600] =	vst v63  }
0x5a: {  	_ =	swait.ge @!p0 [sflag:s0], $0x2800  }
0x5b: {  	[sflag:s0] =	ssyncset.done @!p0 $0x0  }
0x5c: {  	[sflag:s0] =	ssyncadd.s32 @!p0 $0xFFFFD800  }
0x5d: {  	_ =	swait.ge @!p0 [sflag:s0], $0x2800  }
0x5e: {  	[sflag:s0] =	ssyncset.done @!p0 $0x0  }
0x5f: {  	[sflag:s0] =	ssyncadd.s32 @!p0 $0xFFFFD800  }
0x60: {  	_ =	swait.ge @!p0 [sflag:s0], $0x2800  }
0x61: {  	[sflag:s0] =	ssyncset.done @!p0 $0x0  }
0x62: {  	[sflag:s0] =	ssyncadd.s32 @!p0 $0xFFFFD800  }
0x63: {  	_ =	swait.ge [sflag:s24], $0x2800  }
0x64: {  	[sflag:s24] =	ssyncset.done $0x0  }
0x65: {  	[sflag:s24] =	ssyncadd.s32 $0xFFFFD800  }
0x66: {  	s0 =	sshrl.u32 s20, $0x3;
	[bflag:$0x0] =	sbarrier.arrive $0xFFFF  }
0x67: {  	[hbm:s21], [sflag:s22] =	dma.local [spmem:s0], $0x40  }
0x68: {  	_ =	swait.ge [sflag:s19], $0x40  }
0x69: {  	[sflag:s19] =	ssyncset.done $0x0  }
0x6a: {  	s0 =	rddreg [dreg:$0x5];
	[sflag:s19] =	ssyncadd.s32 $0xFFFFFFC0  }
0x6b: {  	[tilespmem:s3], [sflag:$0x1] =	stream.linear.gather [hbm4b:s0+s3], $0x2800, $0x38;
	[tilespmem:$0xA600] =	vst v63  }
0x6c: {  	_ = 	snop  }
0x6d: {  	[tilespmem:s7], [sflag:$0x2] =	stream.linear.gather [hbm4b:s4+s3], $0x50, $0x38;
	[tilespmem:$0xA600] =	vst v63  }
0x6e: {  	_ = 	snop  }
0x6f: {  	[tilespmem:s6], [sflag:$0x1] =	stream.linear.gather @!p0 [hbm4b:s5+s10], $0x2800, $0x38;
	[tilespmem:$0xA600] =	vst v63  }
0x70: {  	_ = 	snop  }
0x71: {  	[tilespmem:s11], [sflag:$0x2] =	stream.linear.gather @!p0 [hbm4b:s14+s10], $0x50, $0x38;
	[tilespmem:$0xA600] =	vst v63  }
0x72: {  	_ = 	snop  }
0x73: {  	[tilespmem:s8], [sflag:$0x1] =	stream.linear.gather @!p0 [hbm4b:s15+s10], $0x2800, $0x38;
	[tilespmem:$0xA600] =	vst v63  }
0x74: {  	_ = 	snop  }
0x75: {  	[tilespmem:s13], [sflag:$0x2] =	stream.linear.gather @!p0 [hbm4b:s16+s10], $0x50, $0x38;
	[tilespmem:$0xA600] =	vst v63  }
0x76: {  	_ = 	snop  }
0x77: {  	[tilespmem:s9], [sflag:$0x1] =	stream.linear.gather @!p0 [hbm4b:s17+s10], $0x2800, $0x38;
	[tilespmem:$0xA600] =	vst v63  }
0x78: {  	_ = 	snop  }
0x79: {  	[tilespmem:s12], [sflag:$0x2] =	stream.linear.gather @!p0 [hbm4b:s18+s10], $0x50, $0x38;
	[tilespmem:$0xA600] =	vst v63  }
0x7a: {  	[tilespmem:$0xA3F0] =	vst v0  }
0x7b: {  	[tilespmem:$0xA3E0] =	vst v0  }
0x7c: {  	[tilespmem:$0xA3D0] =	vst v0  }
0x7d: {  	[tilespmem:$0xA3C0] =	vst v0  }
0x7e: {  	[tilespmem:$0xA3B0] =	vst v0  }
0x7f: {  	[tilespmem:$0xA3A0] =	vst v0  }
0x80: {  	[tilespmem:$0xA390] =	vst v0  }
0x81: {  	[tilespmem:$0xA380] =	vst v0  }
0x82: {  	[tilespmem:$0xA370] =	vst v0  }
0x83: {  	[tilespmem:$0xA360] =	vst v0  }
0x84: {  	[tilespmem:$0xA350] =	vst v0  }
0x85: {  	[tilespmem:$0xA340] =	vst v0  }
0x86: {  	[tilespmem:$0xA330] =	vst v0  }
0x87: {  	[tilespmem:$0xA320] =	vst v0  }
0x88: {  	[tilespmem:$0xA310] =	vst v0  }
0x89: {  	[tilespmem:$0xA300] =	vst v0  }
0x8a: {  	[tilespmem:$0xA2F0] =	vst v0  }
0x8b: {  	[tilespmem:$0xA2E0] =	vst v0  }
0x8c: {  	[tilespmem:$0xA2D0] =	vst v0  }
0x8d: {  	[tilespmem:$0xA2C0] =	vst v0  }
0x8e: {  	[tilespmem:$0xA2B0] =	vst v0  }
0x8f: {  	[tilespmem:$0xA2A0] =	vst v0  }
0x90: {  	[tilespmem:$0xA290] =	vst v0  }
0x91: {  	[tilespmem:$0xA280] =	vst v0  }
0x92: {  	[tilespmem:$0xA270] =	vst v0  }
0x93: {  	[tilespmem:$0xA260] =	vst v0  }
0x94: {  	[tilespmem:$0xA250] =	vst v0  }
0x95: {  	[tilespmem:$0xA240] =	vst v0  }
0x96: {  	[tilespmem:$0xA230] =	vst v0  }
0x97: {  	[tilespmem:$0xA220] =	vst v0  }
0x98: {  	[tilespmem:$0xA200] =	vst v0  }
0x99: {  	[tilespmem:$0xA210] =	vst v0  }
0x9a: {  	[spmem:s20] =	stream.linear.scatter [tilespmem:s23], [sflag:$0x4], $0x200, $0x38;
	[tilespmem:$0xA600] =	vst v63  }
0x9b: {  	_ =	swait.ge [sflag:s19], $0x200  }
0x9c: {  	[sflag:s19] =	ssyncset.done $0x0  }
0x9d: {  	[sflag:s19] =	ssyncadd.s32 $0xFFFFFE00  }
0x9e: {  	[bflag:$0x0] =	sbarrier.arrive $0xFFFF  }
0x9f: {  	_ =	swait.ge [sflag:s26], $0x2800  }
0xa0: {  	[sflag:s26] =	ssyncset.done $0x0  }
0xa1: {  	[sflag:s26] =	ssyncadd.s32 $0xFFFFD800  }
0xa2: {  	_ =	swait.ge [sflag:s28], $0x50  }
0xa3: {  	[sflag:s28] =	ssyncset.done $0x0  }
0xa4: {  	s1 =	sadd.s32 $0xFFFFFFFF, s1;
	[sflag:s28] =	ssyncadd.s32 $0xFFFFFFB0  }
0xa5: {  	[spmem:s2] =	stream.indirect.scatter.add.f32 [tilespmem:s3], [sflag:$0x3], $0x80, s7, s30, $0xb8;
	[tilespmem:$0xA600] =	vst v63  }
0xa6: {  	p1 =	sne.s32 s1, $0x0;
	_ =	swait.ge @!p0 [sflag:s25], $0x2800  }
.Ltmp1:
0xa7: {  	[sflag:s25] =	ssyncset.done @!p0 $0x0;
	(pc) =	sbr.rel @p1 .LBB2_1-.Ltmp1, $4  }
0xa8: {  	[sflag:s25] =	ssyncadd.s32 @!p0 $0xFFFFD800  }
0xa9: {  	_ =	swait.ge @!p0 [sflag:s29], $0x50  }
0xaa: {  	[sflag:s29] =	ssyncset.done @!p0 $0x0  }
0xab: {  	[sflag:s29] =	ssyncadd.s32 @!p0 $0xFFFFFFB0  }
.LBB2_2:
0xac: {  	[spmem:s2] =	stream.indirect.scatter.add.f32 @!p0 [tilespmem:s6], [sflag:$0x3], $0x80, s11, s31, $0xb8;
	[tilespmem:$0xA600] =	vst v63  }
0xad: {  	_ =	swait.ge @!p0 [sflag:s25], $0x2800  }
0xae: {  	[sflag:s25] =	ssyncset.done @!p0 $0x0  }
0xaf: {  	[sflag:s25] =	ssyncadd.s32 @!p0 $0xFFFFD800  }
0xb0: {  	_ =	swait.ge @!p0 [sflag:s29], $0x50  }
0xb1: {  	[sflag:s29] =	ssyncset.done @!p0 $0x0  }
0xb2: {  	[sflag:s29] =	ssyncadd.s32 @!p0 $0xFFFFFFB0  }
0xb3: {  	[spmem:s2] =	stream.indirect.scatter.add.f32 @!p0 [tilespmem:s8], [sflag:$0x3], $0x80, s13, s31, $0xb8;
	[tilespmem:$0xA600] =	vst v63  }
0xb4: {  	_ =	swait.ge @!p0 [sflag:s25], $0x2800  }
0xb5: {  	[sflag:s25] =	ssyncset.done @!p0 $0x0  }
0xb6: {  	[sflag:s25] =	ssyncadd.s32 @!p0 $0xFFFFD800  }
0xb7: {  	_ =	swait.ge @!p0 [sflag:s29], $0x50  }
0xb8: {  	[sflag:s29] =	ssyncset.done @!p0 $0x0  }
0xb9: {  	s0 =	simm.s32 @!p0 $0x3;
	[sflag:s29] =	ssyncadd.s32 @!p0 $0xFFFFFFB0  }
0xba: {  	[spmem:s2] =	stream.indirect.scatter.add.f32 @!p0 [tilespmem:s9], [sflag:$0x3], $0x80, s12, s31, $0xb8;
	[tilespmem:$0xA600] =	vst v63  }
0xbb: {  	_ =	swait.ge @!p0 [sflag:s0], $0x2800  }
0xbc: {  	[sflag:s0] =	ssyncset.done @!p0 $0x0  }
0xbd: {  	[sflag:s0] =	ssyncadd.s32 @!p0 $0xFFFFD800  }
0xbe: {  	_ =	swait.ge @!p0 [sflag:s0], $0x2800  }
0xbf: {  	[sflag:s0] =	ssyncset.done @!p0 $0x0  }
0xc0: {  	[sflag:s0] =	ssyncadd.s32 @!p0 $0xFFFFD800  }
0xc1: {  	_ =	swait.ge @!p0 [sflag:s0], $0x2800  }
0xc2: {  	[sflag:s0] =	ssyncset.done @!p0 $0x0  }
0xc3: {  	[sflag:s0] =	ssyncadd.s32 @!p0 $0xFFFFD800  }
0xc4: {  	_ =	swait.ge [sflag:s24], $0x2800  }
0xc5: {  	[sflag:s24] =	ssyncset.done $0x0  }
0xc6: {  	[sflag:s24] =	ssyncadd.s32 $0xFFFFD800  }
0xc7: {  	s30 =	sshrl.u32 s20, $0x3;
	[bflag:$0x0] =	sbarrier.arrive $0xFFFF  }
0xc8: {  	[hbm:s21], [sflag:s22] =	dma.local [spmem:s30], $0x40  }
0xc9: {  	_ =	swait.ge [sflag:s19], $0x40  }
0xca: {  	[sflag:s19] =	ssyncset.done $0x0  }
0xcb: {  	[sflag:s19] =	ssyncadd.s32 $0xFFFFFFC0  }
0xcc: {  	_ =	sfence.sel $0x180000  }
0xcd: {  	[bflag:$0x0] =	sbarrier.arrive $0xFFFF  }
0xce: {  	_ =	strace $0x90000047  }
0xcf: {  	s31 =	stileid.u32;
	[bflag:$0x2] =	sbarrier.arrive $0xFFFF  }
0xd0: {  	p0 =	sne.s32 s31, $0x0;
	s0 =	rddreg [dreg:$0x4]  }
0xd1: {  	s0 =	sadd.s32 @!p0 $0x100000, s0  }
0xd2: {  	[sflag:s0] =	ssyncadd.tile.s32 @!p0 $0x1;
	_ =	shalt  }
.Lfunc_end2:
_tile_overlayer_lowered:
.L_overlay_start_2:
0xd3: {  	(tag) =	ssettag $0x2  }
0xd4: {  	s0 =	rddreg [dreg:$0x0];
	s2 =	stileid.u32  }
0xd5: {  	s1 =	rddreg [dreg:$0x1];
	p0 =	sne.s32 s2, $0x0  }
0xd6: {  	s3 =	rddreg [dreg:$0x2];
	[bflag:$0x3] =	sbarrier.arrive $0xFFFF;
	s2 =	simm.s32 @!p0 $0x1C04  }
0xd7: {  	[timem:s3], [sflag:s2] =	dma.local @!p0 [hbm:s0], s1  }
0xd8: {  	s0 =	simm.s32 @!p0 $0x4  }
0xd9: {  	_ =	swait.ge @!p0 [sflag:s0], s1  }
0xda: {  	s1 =	ssub.s32 @!p0 $0x0, s1;
	[sflag:s0] =	ssyncset.done @!p0 $0x0  }
0xdb: {  	[sflag:s0] =	ssyncadd.s32 @!p0 s1  }
0xdc: {  	[bflag:$0x3] =	sbarrier.arrive $0xFFFF  }
0xdd: {  	_ =	shalt  }

</sc_bundles>
